<compile_context>
chip_gen: v7x
topology: tpu7x:2x2x1
jax: 0.10.2.dev20260603
libtpu: 0.0.44.dev20260713+nightly
codegen_flags: <defaults>
</compile_context>

<pallas_src>
import functools

import jax
import jax.numpy as jnp
from jax import lax
from jax.experimental import pallas as pl
from jax.experimental.pallas import tpu as pltpu
from jax.experimental.pallas import tpu_sc as plsc

N = 10000
E = 320000
D = 128
H = 128
G = 64

NC = 2
NS = 16
CHUNK = 80
CHUNKS = E // (NC * NS * CHUNK)
EPT = E // (NC * NS)
BUFS = 2
ROUNDS = CHUNKS // BUFS
ROWS_PER_TILE = 624
ROWS_TAIL = N - NS * ROWS_PER_TILE

R = 2000
NBLK = N // R

def _sc_segsum_body(h_hbm, src_hbm, dst_hbm, zeros_hbm, out_hbm,
                    src_v, dst_v, rows_a, rows_b, acc_sh,
                    gsem_a, gsem_b, ssem_a, ssem_b):
    rows = (rows_a, rows_b)
    gsem = (gsem_a, gsem_b)
    ssem = (ssem_a, ssem_b)
    cid = lax.axis_index("c")
    sid = lax.axis_index("s")
    pltpu.sync_copy(src_hbm.at[cid, sid], src_v)

    def _src_slice(j):
        return src_v.at[pl.ds(j * CHUNK, CHUNK)]

    for b in range(BUFS):
        pltpu.async_copy(h_hbm.at[_src_slice(b)], rows[b], gsem[b])

    pltpu.sync_copy(dst_hbm.at[cid, sid], dst_v)
    rows0 = sid * ROWS_PER_TILE
    tail0 = NS * ROWS_PER_TILE
    pltpu.sync_copy(zeros_hbm.at[pl.ds(rows0, ROWS_PER_TILE)],
                    acc_sh.at[pl.ds(rows0, ROWS_PER_TILE)])

    @pl.when(sid == NS - 1)
    def _():
        pltpu.sync_copy(zeros_hbm.at[pl.ds(tail0, ROWS_TAIL)],
                        acc_sh.at[pl.ds(tail0, ROWS_TAIL)])

    plsc.subcore_barrier()


    def body(k, carry):
        j0 = k * BUFS
        for b in range(BUFS):
            pltpu.make_async_copy(h_hbm.at[_src_slice(j0 + b)], rows[b],
                                  gsem[b]).wait()
            pltpu.async_copy(rows[b], acc_sh.at[dst_v.at[j0 + b]],
                             ssem[b], add=True)
        for b in range(BUFS):
            pltpu.make_async_copy(rows[b], acc_sh.at[dst_v.at[j0 + b]],
                                  ssem[b]).wait()

            @pl.when(j0 + BUFS + b < CHUNKS)
            def _():
                pltpu.async_copy(h_hbm.at[_src_slice(j0 + BUFS + b)],
                                 rows[b], gsem[b])

        return carry

    lax.fori_loop(0, ROUNDS, body, 0)
    if CHUNKS % BUFS:
        jlast = ROUNDS * BUFS
        pltpu.make_async_copy(h_hbm.at[_src_slice(jlast)], rows[0],
                              gsem[0]).wait()
        pltpu.sync_copy(rows[0], acc_sh.at[dst_v.at[jlast]], add=True)

    plsc.subcore_barrier()
    pltpu.sync_copy(acc_sh.at[pl.ds(rows0, ROWS_PER_TILE)],
                    out_hbm.at[cid, pl.ds(rows0, ROWS_PER_TILE)])

    @pl.when(sid == NS - 1)
    def _():
        pltpu.sync_copy(acc_sh.at[pl.ds(tail0, ROWS_TAIL)],
                        out_hbm.at[cid, pl.ds(tail0, ROWS_TAIL)])


@functools.cache
def _get_sc_segsum():
    mesh = plsc.VectorSubcoreMesh(core_axis_name="c", subcore_axis_name="s")
    return pl.kernel(
        _sc_segsum_body,
        mesh=mesh,
        out_type=jax.ShapeDtypeStruct((NC, N, D), jnp.float32),
        scratch_types=[
            pltpu.VMEM((EPT,), jnp.int32),
            pltpu.VMEM((CHUNKS, CHUNK), jnp.int32),
            pltpu.VMEM((CHUNK, D), jnp.float32),
            pltpu.VMEM((CHUNK, D), jnp.float32),
            pltpu.VMEM_SHARED((N, D), jnp.float32),
            pltpu.SemaphoreType.DMA,
            pltpu.SemaphoreType.DMA,
            pltpu.SemaphoreType.DMA,
            pltpu.SemaphoreType.DMA,
        ],
    )


def _mlp_body(h_ref, p_ref, w1_ref, b1_ref, w2_ref, b2_ref,
              u_ref, s_ref, ss_ref):
    i = pl.program_id(0)
    z = h_ref[...] + p_ref[0] + p_ref[1]
    a = jnp.maximum(
        lax.dot(z, w1_ref[...], preferred_element_type=jnp.float32)
        + b1_ref[...], 0.0)
    u = jnp.maximum(
        lax.dot(a, w2_ref[...], preferred_element_type=jnp.float32)
        + b2_ref[...], 0.0)
    u_ref[...] = u

    @pl.when(i == 0)
    def _():
        s_ref[...] = jnp.zeros_like(s_ref)
        ss_ref[...] = jnp.zeros_like(ss_ref)

    s_ref[...] += jnp.sum(u, axis=0, keepdims=True)
    ss_ref[...] += jnp.sum(u * u, axis=0, keepdims=True)


_tc_mlp = pl.pallas_call(
    _mlp_body,
    grid=(NBLK,),
    in_specs=[
        pl.BlockSpec((R, D), lambda i: (i, 0)),
        pl.BlockSpec((NC, R, D), lambda i: (0, i, 0)),
        pl.BlockSpec((D, H), lambda i: (0, 0)),
        pl.BlockSpec((1, H), lambda i: (0, 0)),
        pl.BlockSpec((H, H), lambda i: (0, 0)),
        pl.BlockSpec((1, H), lambda i: (0, 0)),
    ],
    out_specs=[
        pl.BlockSpec((R, H), lambda i: (i, 0)),
        pl.BlockSpec((1, H), lambda i: (0, 0)),
        pl.BlockSpec((1, H), lambda i: (0, 0)),
    ],
    out_shape=[
        jax.ShapeDtypeStruct((N, H), jnp.float32),
        jax.ShapeDtypeStruct((1, H), jnp.float32),
        jax.ShapeDtypeStruct((1, H), jnp.float32),
    ],
)


def _bn_scale_shift(s, ss, g, b):
    mean = s / N
    var = ss / N - mean * mean
    scale = g / jnp.sqrt(var + 1e-5)
    shift = b - mean * scale
    return scale, shift


def _bn_body(u_ref, s_ref, ss_ref, g_ref, b_ref, h_ref):
    scale, shift = _bn_scale_shift(s_ref[...], ss_ref[...],
                                   g_ref[...], b_ref[...])
    h_ref[...] = u_ref[...] * scale + shift


_tc_bn = pl.pallas_call(
    _bn_body,
    grid=(NBLK,),
    in_specs=[
        pl.BlockSpec((R, H), lambda i: (i, 0)),
        pl.BlockSpec((1, H), lambda i: (0, 0)),
        pl.BlockSpec((1, H), lambda i: (0, 0)),
        pl.BlockSpec((1, H), lambda i: (0, 0)),
        pl.BlockSpec((1, H), lambda i: (0, 0)),
    ],
    out_specs=pl.BlockSpec((R, H), lambda i: (i, 0)),
    out_shape=jax.ShapeDtypeStruct((N, H), jnp.float32),
)


def _bn_pool_body(u_ref, s_ref, ss_ref, g_ref, b_ref, batch_ref,
                  out_ref, acc, cnt):
    i = pl.program_id(0)

    @pl.when(i == 0)
    def _():
        acc[...] = jnp.zeros_like(acc)
        cnt[...] = jnp.zeros_like(cnt)

    scale, shift = _bn_scale_shift(s_ref[...], ss_ref[...],
                                   g_ref[...], b_ref[...])
    hh = u_ref[...] * scale + shift
    b = batch_ref[0, 0, :]
    m = (b[:, None] == lax.broadcasted_iota(jnp.int32, (R, G), 1)
         ).astype(jnp.float32)
    acc[...] += lax.dot_general(m, hh, (((0,), (0,)), ((), ())),
                                preferred_element_type=jnp.float32)
    cnt[...] += lax.dot_general(m, jnp.ones((R, 1), jnp.float32),
                                (((0,), (0,)), ((), ())),
                                preferred_element_type=jnp.float32)

    @pl.when(i == NBLK - 1)
    def _():
        out_ref[...] = acc[...] / jnp.maximum(cnt[...], 1.0)


_tc_bn_pool = pl.pallas_call(
    _bn_pool_body,
    grid=(NBLK,),
    in_specs=[
        pl.BlockSpec((R, H), lambda i: (i, 0)),
        pl.BlockSpec((1, H), lambda i: (0, 0)),
        pl.BlockSpec((1, H), lambda i: (0, 0)),
        pl.BlockSpec((1, H), lambda i: (0, 0)),
        pl.BlockSpec((1, H), lambda i: (0, 0)),
        pl.BlockSpec((1, 1, R), lambda i: (i, 0, 0)),
    ],
    out_specs=pl.BlockSpec((G, H), lambda i: (0, 0)),
    out_shape=jax.ShapeDtypeStruct((G, H), jnp.float32),
    scratch_shapes=[
        pltpu.VMEM((G, H), jnp.float32),
        pltpu.VMEM((G, 1), jnp.float32),
    ],
)


def kernel(x, edge_index, batch, W1_0, b1_0, W2_0, b2_0, gamma_0, beta_0,
           W1_1, b1_1, W2_1, b2_1, gamma_1, beta_1,
           W1_2, b1_2, W2_2, b2_2, gamma_2, beta_2):
    src_r = edge_index[0].reshape(NC, NS, EPT)
    dst_r = edge_index[1].reshape(NC, NS, CHUNKS, CHUNK)
    zeros = jnp.zeros((N, D), jnp.float32)
    batch_r = batch.reshape(NBLK, 1, R)
    params = [
        (W1_0, b1_0, W2_0, b2_0, gamma_0, beta_0),
        (W1_1, b1_1, W2_1, b2_1, gamma_1, beta_1),
        (W1_2, b1_2, W2_2, b2_2, gamma_2, beta_2),
    ]
    h = x
    out = None
    for l in range(3):
        W1, b1, W2, b2, gm, bt = params[l]
        p = _get_sc_segsum()(h, src_r, dst_r, zeros)
        u, s, ss = _tc_mlp(h, p, W1, b1.reshape(1, H), W2, b2.reshape(1, H))
        if l < 2:
            h = _tc_bn(u, s, ss, gm.reshape(1, H), bt.reshape(1, H))
        else:
            out = _tc_bn_pool(u, s, ss, gm.reshape(1, H), bt.reshape(1, H),
                              batch_r)
    return out

# --- scband reference (transcript-rebuilt; emitter-appended) ---
"""Pipeline reference for scband-graph-feature-extractor-38585986187613 (READ-ONLY COPY).

The authoritative reference and input builder live on the scoring server;
editing this copy changes nothing except your own understanding.
"""

import jax, jax.numpy as jnp
import numpy as np

N = 10000
E = 320000
D = 128
H = 128
G = 64

def _glorot(key, shape):
    bound = 1.0 / np.sqrt(shape[0])
    return jax.random.uniform(key, shape, jnp.float32, -bound, bound)

def setup_inputs(seed: int = 0):
    key = jax.random.key(seed)
    ks = jax.random.split(key, 32)
    inp = {}
    inp['x'] = jax.random.normal(ks[0], (N, D), jnp.float32)
    inp['edge_index'] = jax.random.randint(ks[1], (2, E), 0, N, dtype=jnp.int32)
    inp['batch'] = jnp.sort(jax.random.randint(ks[2], (N,), 0, G, dtype=jnp.int32))
    dims = [D, H, H]
    for l in range(3):
        din = dims[l]
        inp['W1_%d' % l] = _glorot(ks[3 + 6 * l], (din, H))
        inp['b1_%d' % l] = jnp.zeros((H,), jnp.float32)
        inp['W2_%d' % l] = _glorot(ks[4 + 6 * l], (H, H))
        inp['b2_%d' % l] = jnp.zeros((H,), jnp.float32)
        inp['gamma_%d' % l] = jnp.ones((H,), jnp.float32)
        inp['beta_%d' % l] = jnp.zeros((H,), jnp.float32)
    return inp

def _gin_layer(x, edge_index, W1, b1, W2, b2, gamma, beta):
    # GINConv with eps=0: h_i = MLP(x_i + sum_{j in N(i)} x_j)
    src = edge_index[0]
    dst = edge_index[1]
    agg = jax.ops.segment_sum(x[src], dst, num_segments=N)
    h = x + agg
    h = jnp.maximum(h @ W1 + b1, 0.0)
    h = jnp.maximum(h @ W2 + b2, 0.0)
    # BatchNorm1d (training mode: batch statistics over nodes)
    mean = jnp.mean(h, axis=0)
    var = jnp.var(h, axis=0)
    h = (h - mean) / jnp.sqrt(var + 1e-5) * gamma + beta
    return h

def reference(x, edge_index, batch, W1_0, b1_0, W2_0, b2_0, gamma_0, beta_0, W1_1, b1_1, W2_1, b2_1, gamma_1, beta_1, W1_2, b1_2, W2_2, b2_2, gamma_2, beta_2):
    h = _gin_layer(x, edge_index, W1_0, b1_0, W2_0, b2_0, gamma_0, beta_0)
    h = _gin_layer(h, edge_index, W1_1, b1_1, W2_1, b2_1, gamma_1, beta_1)
    h = _gin_layer(h, edge_index, W1_2, b1_2, W2_2, b2_2, gamma_2, beta_2)
    # jk_mode is None -> take last layer output, then global_mean_pool over batch ids
    sums = jax.ops.segment_sum(h, batch, num_segments=G)
    counts = jax.ops.segment_sum(jnp.ones((N,), jnp.float32), batch, num_segments=G)
    return sums / jnp.maximum(counts, 1.0)[:, None]

if __name__ == "__main__":
    import jax
    _d = setup_inputs()
    print(jax.jit(kernel)(*tuple(_d.values())))

</pallas_src>

<mosaic_0001>
#map = affine_map<(d0, d1) -> (0, 0)>
#map1 = affine_map<(d0, d1) -> (0, 0, 0)>
#map2 = affine_map<(d0, d1) -> (0, 0, 0, 0)>
module attributes {stable_mosaic.version = 14 : i64} {
  func.func @_sc_segsum_body(%arg0: i32, %arg1: i32, %arg2: memref<10000x128xf32, #tpu.memory_space<hbm>>, %arg3: memref<2x16x10000xi32, #tpu.memory_space<hbm>>, %arg4: memref<2x16x125x80xi32, #tpu.memory_space<hbm>>, %arg5: memref<10000x128xf32, #tpu.memory_space<hbm>>, %arg6: memref<2x10000x128xf32, #tpu.memory_space<hbm>>, %arg7: memref<10000xi32, #tpu.memory_space<vmem>>, %arg8: memref<125x80xi32, #tpu.memory_space<vmem>>, %arg9: memref<80x128xf32, #tpu.memory_space<vmem>>, %arg10: memref<80x128xf32, #tpu.memory_space<vmem>>, %arg11: memref<10000x128xf32, #tpu.memory_space<vmem_shared>>, %arg12: memref<!tpu.dma_semaphore, #tpu.memory_space<semaphore_mem>>, %arg13: memref<!tpu.dma_semaphore, #tpu.memory_space<semaphore_mem>>, %arg14: memref<!tpu.dma_semaphore, #tpu.memory_space<semaphore_mem>>, %arg15: memref<!tpu.dma_semaphore, #tpu.memory_space<semaphore_mem>>) attributes {dimension_semantics = [#tpu.dimension_semantics<core_parallel>, #tpu.dimension_semantics<subcore_parallel>], iteration_bounds = array<i64: 2, 16>, scalar_prefetch = 0 : i64, scratch_operands = 9 : i64, tpu.core_type = #tpu.core_type<sc_vector_subcore>, window_params = [{transform_indices = #map}, {transform_indices = #map1}, {transform_indices = #map2}, {transform_indices = #map}, {transform_indices = #map1}]} {
    "tpu.region"() ({
      %run_scoped3A_27 = tpu.sem_alloc : memref<!tpu.dma_semaphore, #tpu.memory_space<semaphore_mem>>
      %dma_start3A_28 = arith.constant 0 : i32
      %dma_start3A_29 = tpu.memref_slice %arg3[%arg0, %arg1, %dma_start3A_28] : memref<2x16x10000xi32, #tpu.memory_space<hbm>> -> memref<1x1x10000xi32, #tpu.memory_space<hbm>>
      %dma_start3A_30 = tpu.memref_squeeze %dma_start3A_29 : memref<1x1x10000xi32, #tpu.memory_space<hbm>> -> memref<10000xi32, #tpu.memory_space<hbm>>
      %dma_start3A_31 = arith.constant 0 : i32
      %dma_start3A_32 = tpu.memref_slice %arg3[%arg0, %arg1, %dma_start3A_31] : memref<2x16x10000xi32, #tpu.memory_space<hbm>> -> memref<1x1x10000xi32, #tpu.memory_space<hbm>>
      %dma_start3A_33 = tpu.memref_squeeze %dma_start3A_32 : memref<1x1x10000xi32, #tpu.memory_space<hbm>> -> memref<10000xi32, #tpu.memory_space<hbm>>
      tpu.enqueue_dma source(%dma_start3A_33 : memref<10000xi32, #tpu.memory_space<hbm>>) target(%arg7 : memref<10000xi32, #tpu.memory_space<vmem>>) target_semaphore(%run_scoped3A_27 : memref<!tpu.dma_semaphore, #tpu.memory_space<semaphore_mem>>)
      %dma_wait3A_34 = arith.constant 0 : i32
      %dma_wait3A_35 = tpu.memref_slice %arg3[%arg0, %arg1, %dma_wait3A_34] : memref<2x16x10000xi32, #tpu.memory_space<hbm>> -> memref<1x1x10000xi32, #tpu.memory_space<hbm>>
      %dma_wait3A_36 = tpu.memref_squeeze %dma_wait3A_35 : memref<1x1x10000xi32, #tpu.memory_space<hbm>> -> memref<10000xi32, #tpu.memory_space<hbm>>
      %dma_wait3A_37 = arith.constant 0 : i32
      %dma_wait3A_38 = tpu.memref_slice %arg3[%arg0, %arg1, %dma_wait3A_37] : memref<2x16x10000xi32, #tpu.memory_space<hbm>> -> memref<1x1x10000xi32, #tpu.memory_space<hbm>>
      %dma_wait3A_39 = tpu.memref_squeeze %dma_wait3A_38 : memref<1x1x10000xi32, #tpu.memory_space<hbm>> -> memref<10000xi32, #tpu.memory_space<hbm>>
      tpu.wait_dma2 semaphore(%run_scoped3A_27 : memref<!tpu.dma_semaphore, #tpu.memory_space<semaphore_mem>>) src(%dma_wait3A_39 : memref<10000xi32, #tpu.memory_space<hbm>>) dst(%arg7 : memref<10000xi32, #tpu.memory_space<vmem>>)
      tpu.yield
    }) : () -> ()
    %dma_start3A = arith.constant 0 : i32
    %dma_start3A_0 = tpu.memref_slice %arg7[%dma_start3A] : memref<10000xi32, #tpu.memory_space<vmem>> -> memref<80xi32, #tpu.memory_space<vmem>>
    %dma_start3A_1 = arith.constant 0 : i32
    %dma_start3A_2 = arith.constant 0 : i32
    %dma_start3A_3 = tpu.memref_slice %arg2[%dma_start3A_1, %dma_start3A_2] : memref<10000x128xf32, #tpu.memory_space<hbm>> -> memref<10000x128xf32, #tpu.memory_space<hbm>>
    tpu.enqueue_indirect_dma source(%dma_start3A_3 : memref<10000x128xf32, #tpu.memory_space<hbm>>) target(%arg9 : memref<80x128xf32, #tpu.memory_space<vmem>>) offsets(%dma_start3A_0 : memref<80xi32, #tpu.memory_space<vmem>>) semaphore(%arg12 : memref<!tpu.dma_semaphore, #tpu.memory_space<semaphore_mem>>)
    %dma_start3A_4 = arith.constant 80 : i32
    %dma_start3A_5 = tpu.memref_slice %arg7[%dma_start3A_4] : memref<10000xi32, #tpu.memory_space<vmem>> -> memref<80xi32, #tpu.memory_space<vmem>>
    %dma_start3A_6 = arith.constant 0 : i32
    %dma_start3A_7 = arith.constant 0 : i32
    %dma_start3A_8 = tpu.memref_slice %arg2[%dma_start3A_6, %dma_start3A_7] : memref<10000x128xf32, #tpu.memory_space<hbm>> -> memref<10000x128xf32, #tpu.memory_space<hbm>>
    tpu.enqueue_indirect_dma source(%dma_start3A_8 : memref<10000x128xf32, #tpu.memory_space<hbm>>) target(%arg10 : memref<80x128xf32, #tpu.memory_space<vmem>>) offsets(%dma_start3A_5 : memref<80xi32, #tpu.memory_space<vmem>>) semaphore(%arg13 : memref<!tpu.dma_semaphore, #tpu.memory_space<semaphore_mem>>)
    "tpu.region"() ({
      %run_scoped3A_27 = tpu.sem_alloc : memref<!tpu.dma_semaphore, #tpu.memory_space<semaphore_mem>>
      %dma_start3A_28 = arith.constant 0 : i32
      %dma_start3A_29 = arith.constant 0 : i32
      %dma_start3A_30 = tpu.memref_slice %arg4[%arg0, %arg1, %dma_start3A_28, %dma_start3A_29] : memref<2x16x125x80xi32, #tpu.memory_space<hbm>> -> memref<1x1x125x80xi32, #tpu.memory_space<hbm>>
      %dma_start3A_31 = tpu.memref_squeeze %dma_start3A_30 : memref<1x1x125x80xi32, #tpu.memory_space<hbm>> -> memref<125x80xi32, #tpu.memory_space<hbm>>
      %dma_start3A_32 = arith.constant 0 : i32
      %dma_start3A_33 = arith.constant 0 : i32
      %dma_start3A_34 = tpu.memref_slice %arg4[%arg0, %arg1, %dma_start3A_32, %dma_start3A_33] : memref<2x16x125x80xi32, #tpu.memory_space<hbm>> -> memref<1x1x125x80xi32, #tpu.memory_space<hbm>>
      %dma_start3A_35 = tpu.memref_squeeze %dma_start3A_34 : memref<1x1x125x80xi32, #tpu.memory_space<hbm>> -> memref<125x80xi32, #tpu.memory_space<hbm>>
      tpu.enqueue_dma source(%dma_start3A_35 : memref<125x80xi32, #tpu.memory_space<hbm>>) target(%arg8 : memref<125x80xi32, #tpu.memory_space<vmem>>) target_semaphore(%run_scoped3A_27 : memref<!tpu.dma_semaphore, #tpu.memory_space<semaphore_mem>>)
      %dma_wait3A_36 = arith.constant 0 : i32
      %dma_wait3A_37 = arith.constant 0 : i32
      %dma_wait3A_38 = tpu.memref_slice %arg4[%arg0, %arg1, %dma_wait3A_36, %dma_wait3A_37] : memref<2x16x125x80xi32, #tpu.memory_space<hbm>> -> memref<1x1x125x80xi32, #tpu.memory_space<hbm>>
      %dma_wait3A_39 = tpu.memref_squeeze %dma_wait3A_38 : memref<1x1x125x80xi32, #tpu.memory_space<hbm>> -> memref<125x80xi32, #tpu.memory_space<hbm>>
      %dma_wait3A_40 = arith.constant 0 : i32
      %dma_wait3A_41 = arith.constant 0 : i32
      %dma_wait3A_42 = tpu.memref_slice %arg4[%arg0, %arg1, %dma_wait3A_40, %dma_wait3A_41] : memref<2x16x125x80xi32, #tpu.memory_space<hbm>> -> memref<1x1x125x80xi32, #tpu.memory_space<hbm>>
      %dma_wait3A_43 = tpu.memref_squeeze %dma_wait3A_42 : memref<1x1x125x80xi32, #tpu.memory_space<hbm>> -> memref<125x80xi32, #tpu.memory_space<hbm>>
      tpu.wait_dma2 semaphore(%run_scoped3A_27 : memref<!tpu.dma_semaphore, #tpu.memory_space<semaphore_mem>>) src(%dma_wait3A_43 : memref<125x80xi32, #tpu.memory_space<hbm>>) dst(%arg8 : memref<125x80xi32, #tpu.memory_space<vmem>>)
      tpu.yield
    }) : () -> ()
    %mul3A = arith.constant 624 : i32
    %mul3A_9 = arith.muli %arg1, %mul3A : i32
    "tpu.region"() ({
      %run_scoped3A_27 = tpu.sem_alloc : memref<!tpu.dma_semaphore, #tpu.memory_space<semaphore_mem>>
      %dma_start3A_28 = arith.constant 0 : i32
      %dma_start3A_29 = tpu.memref_slice %arg11[%mul3A_9, %dma_start3A_28] : memref<10000x128xf32, #tpu.memory_space<vmem_shared>> -> memref<624x128xf32, #tpu.memory_space<vmem_shared>>
      %dma_start3A_30 = arith.constant 0 : i32
      %dma_start3A_31 = tpu.memref_slice %arg5[%mul3A_9, %dma_start3A_30] : memref<10000x128xf32, #tpu.memory_space<hbm>> -> memref<624x128xf32, #tpu.memory_space<hbm>>
      tpu.enqueue_dma source(%dma_start3A_31 : memref<624x128xf32, #tpu.memory_space<hbm>>) target(%dma_start3A_29 : memref<624x128xf32, #tpu.memory_space<vmem_shared>>) target_semaphore(%run_scoped3A_27 : memref<!tpu.dma_semaphore, #tpu.memory_space<semaphore_mem>>)
      %dma_wait3A_32 = arith.constant 0 : i32
      %dma_wait3A_33 = tpu.memref_slice %arg11[%mul3A_9, %dma_wait3A_32] : memref<10000x128xf32, #tpu.memory_space<vmem_shared>> -> memref<624x128xf32, #tpu.memory_space<vmem_shared>>
      %dma_wait3A_34 = arith.constant 0 : i32
      %dma_wait3A_35 = tpu.memref_slice %arg5[%mul3A_9, %dma_wait3A_34] : memref<10000x128xf32, #tpu.memory_space<hbm>> -> memref<624x128xf32, #tpu.memory_space<hbm>>
      tpu.wait_dma2 semaphore(%run_scoped3A_27 : memref<!tpu.dma_semaphore, #tpu.memory_space<semaphore_mem>>) src(%dma_wait3A_35 : memref<624x128xf32, #tpu.memory_space<hbm>>) dst(%dma_wait3A_33 : memref<624x128xf32, #tpu.memory_space<vmem_shared>>)
      tpu.yield
    }) : () -> ()
    %eq3A = arith.constant 15 : i32
    %eq3A_10 = arith.cmpi eq, %arg1, %eq3A : i32
    %convert_element_type3A = arith.extui %eq3A_10 : i1 to i32
    %cond3A = arith.constant 0 : i32
    %cond3A_11 = arith.cmpi ne, %convert_element_type3A, %cond3A : i32
    scf.if %cond3A_11 {
      "tpu.region"() ({
        %run_scoped3A_27 = tpu.sem_alloc : memref<!tpu.dma_semaphore, #tpu.memory_space<semaphore_mem>>
        %dma_start3A_28 = arith.constant 9984 : i32
        %dma_start3A_29 = arith.constant 0 : i32
        %dma_start3A_30 = tpu.memref_slice %arg11[%dma_start3A_28, %dma_start3A_29] : memref<10000x128xf32, #tpu.memory_space<vmem_shared>> -> memref<16x128xf32, #tpu.memory_space<vmem_shared>>
        %dma_start3A_31 = arith.constant 9984 : i32
        %dma_start3A_32 = arith.constant 0 : i32
        %dma_start3A_33 = tpu.memref_slice %arg5[%dma_start3A_31, %dma_start3A_32] : memref<10000x128xf32, #tpu.memory_space<hbm>> -> memref<16x128xf32, #tpu.memory_space<hbm>>
        tpu.enqueue_dma source(%dma_start3A_33 : memref<16x128xf32, #tpu.memory_space<hbm>>) target(%dma_start3A_30 : memref<16x128xf32, #tpu.memory_space<vmem_shared>>) target_semaphore(%run_scoped3A_27 : memref<!tpu.dma_semaphore, #tpu.memory_space<semaphore_mem>>)
        %dma_wait3A_34 = arith.constant 9984 : i32
        %dma_wait3A_35 = arith.constant 0 : i32
        %dma_wait3A_36 = tpu.memref_slice %arg11[%dma_wait3A_34, %dma_wait3A_35] : memref<10000x128xf32, #tpu.memory_space<vmem_shared>> -> memref<16x128xf32, #tpu.memory_space<vmem_shared>>
        %dma_wait3A_37 = arith.constant 9984 : i32
        %dma_wait3A_38 = arith.constant 0 : i32
        %dma_wait3A_39 = tpu.memref_slice %arg5[%dma_wait3A_37, %dma_wait3A_38] : memref<10000x128xf32, #tpu.memory_space<hbm>> -> memref<16x128xf32, #tpu.memory_space<hbm>>
        tpu.wait_dma2 semaphore(%run_scoped3A_27 : memref<!tpu.dma_semaphore, #tpu.memory_space<semaphore_mem>>) src(%dma_wait3A_39 : memref<16x128xf32, #tpu.memory_space<hbm>>) dst(%dma_wait3A_36 : memref<16x128xf32, #tpu.memory_space<vmem_shared>>)
        tpu.yield
      }) : () -> ()
    } else {
    }
    %barrier3A = arith.constant 0 : index
    tpu.barrier barrier_id(%barrier3A)
    %scan3A = arith.constant 0 : i32
    %scan3A_12 = arith.constant 0 : i32
    %scan3A_13 = arith.constant 62 : i32
    %scan3A_14 = arith.addi %scan3A_12, %scan3A_13 : i32
    %scan3A_15 = arith.constant 1 : i32
    scf.for %scan3A_27 = %scan3A_12 to %scan3A_14 step %scan3A_15  : i32 {
      %mul3A_28 = arith.constant 2 : i32
      %mul3A_29 = arith.muli %scan3A_27, %mul3A_28 : i32
      %add3A = arith.constant 0 : i32
      %add3A_30 = arith.addi %mul3A_29, %add3A : i32
      %mul3A_31 = arith.constant 80 : i32
      %mul3A_32 = arith.muli %add3A_30, %mul3A_31 : i32
      %dma_wait3A_33 = tpu.memref_slice %arg7[%mul3A_32] : memref<10000xi32, #tpu.memory_space<vmem>> -> memref<80xi32, #tpu.memory_space<vmem>>
      %dma_wait3A_34 = arith.constant 0 : i32
      %dma_wait3A_35 = arith.constant 0 : i32
      %dma_wait3A_36 = tpu.memref_slice %arg2[%dma_wait3A_34, %dma_wait3A_35] : memref<10000x128xf32, #tpu.memory_space<hbm>> -> memref<10000x128xf32, #tpu.memory_space<hbm>>
      tpu.wait_indirect_dma semaphore(%arg12 : memref<!tpu.dma_semaphore, #tpu.memory_space<semaphore_mem>>) src(%dma_wait3A_36 : memref<10000x128xf32, #tpu.memory_space<hbm>>) dst(%arg9 : memref<80x128xf32, #tpu.memory_space<vmem>>)
      %add3A_37 = arith.constant 0 : i32
      %add3A_38 = arith.addi %mul3A_29, %add3A_37 : i32
      %dma_start3A_39 = arith.constant 0 : i32
      %dma_start3A_40 = tpu.memref_slice %arg8[%add3A_38, %dma_start3A_39] : memref<125x80xi32, #tpu.memory_space<vmem>> -> memref<1x80xi32, #tpu.memory_space<vmem>>
      %dma_start3A_41 = tpu.memref_squeeze %dma_start3A_40 : memref<1x80xi32, #tpu.memory_space<vmem>> -> memref<80xi32, #tpu.memory_space<vmem>>
      %dma_start3A_42 = arith.constant 0 : i32
      %dma_start3A_43 = arith.constant 0 : i32
      %dma_start3A_44 = tpu.memref_slice %arg11[%dma_start3A_42, %dma_start3A_43] : memref<10000x128xf32, #tpu.memory_space<vmem_shared>> -> memref<10000x128xf32, #tpu.memory_space<vmem_shared>>
      tpu.enqueue_indirect_dma source(%arg9 : memref<80x128xf32, #tpu.memory_space<vmem>>) target(%dma_start3A_44 : memref<10000x128xf32, #tpu.memory_space<vmem_shared>>) offsets(%dma_start3A_41 : memref<80xi32, #tpu.memory_space<vmem>>) semaphore(%arg14 : memref<!tpu.dma_semaphore, #tpu.memory_space<semaphore_mem>>) {add = true}
      %add3A_45 = arith.constant 1 : i32
      %add3A_46 = arith.addi %mul3A_29, %add3A_45 : i32
      %mul3A_47 = arith.constant 80 : i32
      %mul3A_48 = arith.muli %add3A_46, %mul3A_47 : i32
      %dma_wait3A_49 = tpu.memref_slice %arg7[%mul3A_48] : memref<10000xi32, #tpu.memory_space<vmem>> -> memref<80xi32, #tpu.memory_space<vmem>>
      %dma_wait3A_50 = arith.constant 0 : i32
      %dma_wait3A_51 = arith.constant 0 : i32
      %dma_wait3A_52 = tpu.memref_slice %arg2[%dma_wait3A_50, %dma_wait3A_51] : memref<10000x128xf32, #tpu.memory_space<hbm>> -> memref<10000x128xf32, #tpu.memory_space<hbm>>
      tpu.wait_indirect_dma semaphore(%arg13 : memref<!tpu.dma_semaphore, #tpu.memory_space<semaphore_mem>>) src(%dma_wait3A_52 : memref<10000x128xf32, #tpu.memory_space<hbm>>) dst(%arg10 : memref<80x128xf32, #tpu.memory_space<vmem>>)
      %add3A_53 = arith.constant 1 : i32
      %add3A_54 = arith.addi %mul3A_29, %add3A_53 : i32
      %dma_start3A_55 = arith.constant 0 : i32
      %dma_start3A_56 = tpu.memref_slice %arg8[%add3A_54, %dma_start3A_55] : memref<125x80xi32, #tpu.memory_space<vmem>> -> memref<1x80xi32, #tpu.memory_space<vmem>>
      %dma_start3A_57 = tpu.memref_squeeze %dma_start3A_56 : memref<1x80xi32, #tpu.memory_space<vmem>> -> memref<80xi32, #tpu.memory_space<vmem>>
      %dma_start3A_58 = arith.constant 0 : i32
      %dma_start3A_59 = arith.constant 0 : i32
      %dma_start3A_60 = tpu.memref_slice %arg11[%dma_start3A_58, %dma_start3A_59] : memref<10000x128xf32, #tpu.memory_space<vmem_shared>> -> memref<10000x128xf32, #tpu.memory_space<vmem_shared>>
      tpu.enqueue_indirect_dma source(%arg10 : memref<80x128xf32, #tpu.memory_space<vmem>>) target(%dma_start3A_60 : memref<10000x128xf32, #tpu.memory_space<vmem_shared>>) offsets(%dma_start3A_57 : memref<80xi32, #tpu.memory_space<vmem>>) semaphore(%arg15 : memref<!tpu.dma_semaphore, #tpu.memory_space<semaphore_mem>>) {add = true}
      %add3A_61 = arith.constant 0 : i32
      %add3A_62 = arith.addi %mul3A_29, %add3A_61 : i32
      %dma_wait3A_63 = arith.constant 0 : i32
      %dma_wait3A_64 = tpu.memref_slice %arg8[%add3A_62, %dma_wait3A_63] : memref<125x80xi32, #tpu.memory_space<vmem>> -> memref<1x80xi32, #tpu.memory_space<vmem>>
      %dma_wait3A_65 = tpu.memref_squeeze %dma_wait3A_64 : memref<1x80xi32, #tpu.memory_space<vmem>> -> memref<80xi32, #tpu.memory_space<vmem>>
      %dma_wait3A_66 = arith.constant 0 : i32
      %dma_wait3A_67 = arith.constant 0 : i32
      %dma_wait3A_68 = tpu.memref_slice %arg11[%dma_wait3A_66, %dma_wait3A_67] : memref<10000x128xf32, #tpu.memory_space<vmem_shared>> -> memref<10000x128xf32, #tpu.memory_space<vmem_shared>>
      tpu.wait_indirect_dma semaphore(%arg14 : memref<!tpu.dma_semaphore, #tpu.memory_space<semaphore_mem>>) src(%arg9 : memref<80x128xf32, #tpu.memory_space<vmem>>) dst(%dma_wait3A_68 : memref<10000x128xf32, #tpu.memory_space<vmem_shared>>)
      %add3A_69 = arith.constant 2 : i32
      %add3A_70 = arith.addi %mul3A_29, %add3A_69 : i32
      %add3A_71 = arith.constant 0 : i32
      %add3A_72 = arith.addi %add3A_70, %add3A_71 : i32
      %lt3A = arith.constant 125 : i32
      %lt3A_73 = arith.cmpi slt, %add3A_72, %lt3A : i32
      %convert_element_type3A_74 = arith.extui %lt3A_73 : i1 to i32
      %cond3A_75 = arith.constant 0 : i32
      %cond3A_76 = arith.cmpi ne, %convert_element_type3A_74, %cond3A_75 : i32
      scf.if %cond3A_76 {
        %add3A_94 = arith.constant 2 : i32
        %add3A_95 = arith.addi %mul3A_29, %add3A_94 : i32
        %add3A_96 = arith.constant 0 : i32
        %add3A_97 = arith.addi %add3A_95, %add3A_96 : i32
        %mul3A_98 = arith.constant 80 : i32
        %mul3A_99 = arith.muli %add3A_97, %mul3A_98 : i32
        %dma_start3A_100 = tpu.memref_slice %arg7[%mul3A_99] : memref<10000xi32, #tpu.memory_space<vmem>> -> memref<80xi32, #tpu.memory_space<vmem>>
        %dma_start3A_101 = arith.constant 0 : i32
        %dma_start3A_102 = arith.constant 0 : i32
        %dma_start3A_103 = tpu.memref_slice %arg2[%dma_start3A_101, %dma_start3A_102] : memref<10000x128xf32, #tpu.memory_space<hbm>> -> memref<10000x128xf32, #tpu.memory_space<hbm>>
        tpu.enqueue_indirect_dma source(%dma_start3A_103 : memref<10000x128xf32, #tpu.memory_space<hbm>>) target(%arg9 : memref<80x128xf32, #tpu.memory_space<vmem>>) offsets(%dma_start3A_100 : memref<80xi32, #tpu.memory_space<vmem>>) semaphore(%arg12 : memref<!tpu.dma_semaphore, #tpu.memory_space<semaphore_mem>>)
      } else {
      }
      %add3A_77 = arith.constant 1 : i32
      %add3A_78 = arith.addi %mul3A_29, %add3A_77 : i32
      %dma_wait3A_79 = arith.constant 0 : i32
      %dma_wait3A_80 = tpu.memref_slice %arg8[%add3A_78, %dma_wait3A_79] : memref<125x80xi32, #tpu.memory_space<vmem>> -> memref<1x80xi32, #tpu.memory_space<vmem>>
      %dma_wait3A_81 = tpu.memref_squeeze %dma_wait3A_80 : memref<1x80xi32, #tpu.memory_space<vmem>> -> memref<80xi32, #tpu.memory_space<vmem>>
      %dma_wait3A_82 = arith.constant 0 : i32
      %dma_wait3A_83 = arith.constant 0 : i32
      %dma_wait3A_84 = tpu.memref_slice %arg11[%dma_wait3A_82, %dma_wait3A_83] : memref<10000x128xf32, #tpu.memory_space<vmem_shared>> -> memref<10000x128xf32, #tpu.memory_space<vmem_shared>>
      tpu.wait_indirect_dma semaphore(%arg15 : memref<!tpu.dma_semaphore, #tpu.memory_space<semaphore_mem>>) src(%arg10 : memref<80x128xf32, #tpu.memory_space<vmem>>) dst(%dma_wait3A_84 : memref<10000x128xf32, #tpu.memory_space<vmem_shared>>)
      %add3A_85 = arith.constant 2 : i32
      %add3A_86 = arith.addi %mul3A_29, %add3A_85 : i32
      %add3A_87 = arith.constant 1 : i32
      %add3A_88 = arith.addi %add3A_86, %add3A_87 : i32
      %lt3A_89 = arith.constant 125 : i32
      %lt3A_90 = arith.cmpi slt, %add3A_88, %lt3A_89 : i32
      %convert_element_type3A_91 = arith.extui %lt3A_90 : i1 to i32
      %cond3A_92 = arith.constant 0 : i32
      %cond3A_93 = arith.cmpi ne, %convert_element_type3A_91, %cond3A_92 : i32
      scf.if %cond3A_93 {
        %add3A_94 = arith.constant 2 : i32
        %add3A_95 = arith.addi %mul3A_29, %add3A_94 : i32
        %add3A_96 = arith.constant 1 : i32
        %add3A_97 = arith.addi %add3A_95, %add3A_96 : i32
        %mul3A_98 = arith.constant 80 : i32
        %mul3A_99 = arith.muli %add3A_97, %mul3A_98 : i32
        %dma_start3A_100 = tpu.memref_slice %arg7[%mul3A_99] : memref<10000xi32, #tpu.memory_space<vmem>> -> memref<80xi32, #tpu.memory_space<vmem>>
        %dma_start3A_101 = arith.constant 0 : i32
        %dma_start3A_102 = arith.constant 0 : i32
        %dma_start3A_103 = tpu.memref_slice %arg2[%dma_start3A_101, %dma_start3A_102] : memref<10000x128xf32, #tpu.memory_space<hbm>> -> memref<10000x128xf32, #tpu.memory_space<hbm>>
        tpu.enqueue_indirect_dma source(%dma_start3A_103 : memref<10000x128xf32, #tpu.memory_space<hbm>>) target(%arg10 : memref<80x128xf32, #tpu.memory_space<vmem>>) offsets(%dma_start3A_100 : memref<80xi32, #tpu.memory_space<vmem>>) semaphore(%arg13 : memref<!tpu.dma_semaphore, #tpu.memory_space<semaphore_mem>>)
      } else {
      }
    }
    %scan3A_16 = arith.constant 62 : i32
    %dma_wait3A = arith.constant 9920 : i32
    %dma_wait3A_17 = tpu.memref_slice %arg7[%dma_wait3A] : memref<10000xi32, #tpu.memory_space<vmem>> -> memref<80xi32, #tpu.memory_space<vmem>>
    %dma_wait3A_18 = arith.constant 0 : i32
    %dma_wait3A_19 = arith.constant 0 : i32
    %dma_wait3A_20 = tpu.memref_slice %arg2[%dma_wait3A_18, %dma_wait3A_19] : memref<10000x128xf32, #tpu.memory_space<hbm>> -> memref<10000x128xf32, #tpu.memory_space<hbm>>
    tpu.wait_indirect_dma semaphore(%arg12 : memref<!tpu.dma_semaphore, #tpu.memory_space<semaphore_mem>>) src(%dma_wait3A_20 : memref<10000x128xf32, #tpu.memory_space<hbm>>) dst(%arg9 : memref<80x128xf32, #tpu.memory_space<vmem>>)
    %run_scoped3A = arith.constant 124 : i32
    "tpu.region"() ({
      %run_scoped3A_27 = tpu.sem_alloc : memref<!tpu.dma_semaphore, #tpu.memory_space<semaphore_mem>>
      %dma_start3A_28 = arith.constant 0 : i32
      %dma_start3A_29 = tpu.memref_slice %arg8[%run_scoped3A, %dma_start3A_28] : memref<125x80xi32, #tpu.memory_space<vmem>> -> memref<1x80xi32, #tpu.memory_space<vmem>>
      %dma_start3A_30 = tpu.memref_squeeze %dma_start3A_29 : memref<1x80xi32, #tpu.memory_space<vmem>> -> memref<80xi32, #tpu.memory_space<vmem>>
      %dma_start3A_31 = arith.constant 0 : i32
      %dma_start3A_32 = arith.constant 0 : i32
      %dma_start3A_33 = tpu.memref_slice %arg11[%dma_start3A_31, %dma_start3A_32] : memref<10000x128xf32, #tpu.memory_space<vmem_shared>> -> memref<10000x128xf32, #tpu.memory_space<vmem_shared>>
      tpu.enqueue_indirect_dma source(%arg9 : memref<80x128xf32, #tpu.memory_space<vmem>>) target(%dma_start3A_33 : memref<10000x128xf32, #tpu.memory_space<vmem_shared>>) offsets(%dma_start3A_30 : memref<80xi32, #tpu.memory_space<vmem>>) semaphore(%run_scoped3A_27 : memref<!tpu.dma_semaphore, #tpu.memory_space<semaphore_mem>>) {add = true}
      %dma_wait3A_34 = arith.constant 0 : i32
      %dma_wait3A_35 = tpu.memref_slice %arg8[%run_scoped3A, %dma_wait3A_34] : memref<125x80xi32, #tpu.memory_space<vmem>> -> memref<1x80xi32, #tpu.memory_space<vmem>>
      %dma_wait3A_36 = tpu.memref_squeeze %dma_wait3A_35 : memref<1x80xi32, #tpu.memory_space<vmem>> -> memref<80xi32, #tpu.memory_space<vmem>>
      %dma_wait3A_37 = arith.constant 0 : i32
      %dma_wait3A_38 = arith.constant 0 : i32
      %dma_wait3A_39 = tpu.memref_slice %arg11[%dma_wait3A_37, %dma_wait3A_38] : memref<10000x128xf32, #tpu.memory_space<vmem_shared>> -> memref<10000x128xf32, #tpu.memory_space<vmem_shared>>
      tpu.wait_indirect_dma semaphore(%run_scoped3A_27 : memref<!tpu.dma_semaphore, #tpu.memory_space<semaphore_mem>>) src(%arg9 : memref<80x128xf32, #tpu.memory_space<vmem>>) dst(%dma_wait3A_39 : memref<10000x128xf32, #tpu.memory_space<vmem_shared>>)
      tpu.yield
    }) : () -> ()
    %barrier3A_21 = arith.constant 0 : index
    tpu.barrier barrier_id(%barrier3A_21)
    "tpu.region"() ({
      %run_scoped3A_27 = tpu.sem_alloc : memref<!tpu.dma_semaphore, #tpu.memory_space<semaphore_mem>>
      %dma_start3A_28 = arith.constant 0 : i32
      %dma_start3A_29 = tpu.memref_slice %arg6[%arg0, %mul3A_9, %dma_start3A_28] : memref<2x10000x128xf32, #tpu.memory_space<hbm>> -> memref<1x624x128xf32, #tpu.memory_space<hbm>>
      %dma_start3A_30 = tpu.memref_squeeze %dma_start3A_29 : memref<1x624x128xf32, #tpu.memory_space<hbm>> -> memref<624x128xf32, #tpu.memory_space<hbm>>
      %dma_start3A_31 = arith.constant 0 : i32
      %dma_start3A_32 = tpu.memref_slice %arg11[%mul3A_9, %dma_start3A_31] : memref<10000x128xf32, #tpu.memory_space<vmem_shared>> -> memref<624x128xf32, #tpu.memory_space<vmem_shared>>
      tpu.enqueue_dma source(%dma_start3A_32 : memref<624x128xf32, #tpu.memory_space<vmem_shared>>) target(%dma_start3A_30 : memref<624x128xf32, #tpu.memory_space<hbm>>) target_semaphore(%run_scoped3A_27 : memref<!tpu.dma_semaphore, #tpu.memory_space<semaphore_mem>>)
      %dma_wait3A_33 = arith.constant 0 : i32
      %dma_wait3A_34 = tpu.memref_slice %arg6[%arg0, %mul3A_9, %dma_wait3A_33] : memref<2x10000x128xf32, #tpu.memory_space<hbm>> -> memref<1x624x128xf32, #tpu.memory_space<hbm>>
      %dma_wait3A_35 = tpu.memref_squeeze %dma_wait3A_34 : memref<1x624x128xf32, #tpu.memory_space<hbm>> -> memref<624x128xf32, #tpu.memory_space<hbm>>
      %dma_wait3A_36 = arith.constant 0 : i32
      %dma_wait3A_37 = tpu.memref_slice %arg11[%mul3A_9, %dma_wait3A_36] : memref<10000x128xf32, #tpu.memory_space<vmem_shared>> -> memref<624x128xf32, #tpu.memory_space<vmem_shared>>
      tpu.wait_dma2 semaphore(%run_scoped3A_27 : memref<!tpu.dma_semaphore, #tpu.memory_space<semaphore_mem>>) src(%dma_wait3A_37 : memref<624x128xf32, #tpu.memory_space<vmem_shared>>) dst(%dma_wait3A_35 : memref<624x128xf32, #tpu.memory_space<hbm>>)
      tpu.yield
    }) : () -> ()
    %eq3A_22 = arith.constant 15 : i32
    %eq3A_23 = arith.cmpi eq, %arg1, %eq3A_22 : i32
    %convert_element_type3A_24 = arith.extui %eq3A_23 : i1 to i32
    %cond3A_25 = arith.constant 0 : i32
    %cond3A_26 = arith.cmpi ne, %convert_element_type3A_24, %cond3A_25 : i32
    scf.if %cond3A_26 {
      "tpu.region"() ({
        %run_scoped3A_27 = tpu.sem_alloc : memref<!tpu.dma_semaphore, #tpu.memory_space<semaphore_mem>>
        %dma_start3A_28 = arith.constant 9984 : i32
        %dma_start3A_29 = arith.constant 0 : i32
        %dma_start3A_30 = tpu.memref_slice %arg6[%arg0, %dma_start3A_28, %dma_start3A_29] : memref<2x10000x128xf32, #tpu.memory_space<hbm>> -> memref<1x16x128xf32, #tpu.memory_space<hbm>>
        %dma_start3A_31 = tpu.memref_squeeze %dma_start3A_30 : memref<1x16x128xf32, #tpu.memory_space<hbm>> -> memref<16x128xf32, #tpu.memory_space<hbm>>
        %dma_start3A_32 = arith.constant 9984 : i32
        %dma_start3A_33 = arith.constant 0 : i32
        %dma_start3A_34 = tpu.memref_slice %arg11[%dma_start3A_32, %dma_start3A_33] : memref<10000x128xf32, #tpu.memory_space<vmem_shared>> -> memref<16x128xf32, #tpu.memory_space<vmem_shared>>
        tpu.enqueue_dma source(%dma_start3A_34 : memref<16x128xf32, #tpu.memory_space<vmem_shared>>) target(%dma_start3A_31 : memref<16x128xf32, #tpu.memory_space<hbm>>) target_semaphore(%run_scoped3A_27 : memref<!tpu.dma_semaphore, #tpu.memory_space<semaphore_mem>>)
        %dma_wait3A_35 = arith.constant 9984 : i32
        %dma_wait3A_36 = arith.constant 0 : i32
        %dma_wait3A_37 = tpu.memref_slice %arg6[%arg0, %dma_wait3A_35, %dma_wait3A_36] : memref<2x10000x128xf32, #tpu.memory_space<hbm>> -> memref<1x16x128xf32, #tpu.memory_space<hbm>>
        %dma_wait3A_38 = tpu.memref_squeeze %dma_wait3A_37 : memref<1x16x128xf32, #tpu.memory_space<hbm>> -> memref<16x128xf32, #tpu.memory_space<hbm>>
        %dma_wait3A_39 = arith.constant 9984 : i32
        %dma_wait3A_40 = arith.constant 0 : i32
        %dma_wait3A_41 = tpu.memref_slice %arg11[%dma_wait3A_39, %dma_wait3A_40] : memref<10000x128xf32, #tpu.memory_space<vmem_shared>> -> memref<16x128xf32, #tpu.memory_space<vmem_shared>>
        tpu.wait_dma2 semaphore(%run_scoped3A_27 : memref<!tpu.dma_semaphore, #tpu.memory_space<semaphore_mem>>) src(%dma_wait3A_41 : memref<16x128xf32, #tpu.memory_space<vmem_shared>>) dst(%dma_wait3A_38 : memref<16x128xf32, #tpu.memory_space<hbm>>)
        tpu.yield
      }) : () -> ()
    } else {
    }
    return
  }
}

#map = affine_map<(d0, d1) -> (0, 0)>
#map1 = affine_map<(d0, d1) -> (0, 0, 0)>
#map2 = affine_map<(d0, d1) -> (0, 0, 0, 0)>
module attributes {stable_mosaic.version = 14 : i64} {
  func.func @_sc_segsum_body(%arg0: i32, %arg1: i32, %arg2: memref<10000x128xf32, #tpu.memory_space<hbm>>, %arg3: memref<2x16x10000xi32, #tpu.memory_space<hbm>>, %arg4: memref<2x16x125x80xi32, #tpu.memory_space<hbm>>, %arg5: memref<10000x128xf32, #tpu.memory_space<hbm>>, %arg6: memref<2x10000x128xf32, #tpu.memory_space<hbm>>, %arg7: memref<10000xi32, #tpu.memory_space<vmem>>, %arg8: memref<125x80xi32, #tpu.memory_space<vmem>>, %arg9: memref<80x128xf32, #tpu.memory_space<vmem>>, %arg10: memref<80x128xf32, #tpu.memory_space<vmem>>, %arg11: memref<10000x128xf32, #tpu.memory_space<vmem_shared>>, %arg12: memref<!tpu.dma_semaphore, #tpu.memory_space<semaphore_mem>>, %arg13: memref<!tpu.dma_semaphore, #tpu.memory_space<semaphore_mem>>, %arg14: memref<!tpu.dma_semaphore, #tpu.memory_space<semaphore_mem>>, %arg15: memref<!tpu.dma_semaphore, #tpu.memory_space<semaphore_mem>>) attributes {dimension_semantics = [#tpu.dimension_semantics<core_parallel>, #tpu.dimension_semantics<subcore_parallel>], iteration_bounds = array<i64: 2, 16>, scalar_prefetch = 0 : i64, scratch_operands = 9 : i64, tpu.core_type = #tpu.core_type<sc_vector_subcore>, window_params = [{transform_indices = #map}, {transform_indices = #map1}, {transform_indices = #map2}, {transform_indices = #map}, {transform_indices = #map1}]} {
    "tpu.region"() ({
      %run_scoped3A_27 = tpu.sem_alloc : memref<!tpu.dma_semaphore, #tpu.memory_space<semaphore_mem>>
      %dma_start3A_28 = arith.constant 0 : i32
      %dma_start3A_29 = tpu.memref_slice %arg3[%arg0, %arg1, %dma_start3A_28] : memref<2x16x10000xi32, #tpu.memory_space<hbm>> -> memref<1x1x10000xi32, #tpu.memory_space<hbm>>
      %dma_start3A_30 = tpu.memref_squeeze %dma_start3A_29 : memref<1x1x10000xi32, #tpu.memory_space<hbm>> -> memref<10000xi32, #tpu.memory_space<hbm>>
      %dma_start3A_31 = arith.constant 0 : i32
      %dma_start3A_32 = tpu.memref_slice %arg3[%arg0, %arg1, %dma_start3A_31] : memref<2x16x10000xi32, #tpu.memory_space<hbm>> -> memref<1x1x10000xi32, #tpu.memory_space<hbm>>
      %dma_start3A_33 = tpu.memref_squeeze %dma_start3A_32 : memref<1x1x10000xi32, #tpu.memory_space<hbm>> -> memref<10000xi32, #tpu.memory_space<hbm>>
      tpu.enqueue_dma source(%dma_start3A_33 : memref<10000xi32, #tpu.memory_space<hbm>>) target(%arg7 : memref<10000xi32, #tpu.memory_space<vmem>>) target_semaphore(%run_scoped3A_27 : memref<!tpu.dma_semaphore, #tpu.memory_space<semaphore_mem>>)
      %dma_wait3A_34 = arith.constant 0 : i32
      %dma_wait3A_35 = tpu.memref_slice %arg3[%arg0, %arg1, %dma_wait3A_34] : memref<2x16x10000xi32, #tpu.memory_space<hbm>> -> memref<1x1x10000xi32, #tpu.memory_space<hbm>>
      %dma_wait3A_36 = tpu.memref_squeeze %dma_wait3A_35 : memref<1x1x10000xi32, #tpu.memory_space<hbm>> -> memref<10000xi32, #tpu.memory_space<hbm>>
      %dma_wait3A_37 = arith.constant 0 : i32
      %dma_wait3A_38 = tpu.memref_slice %arg3[%arg0, %arg1, %dma_wait3A_37] : memref<2x16x10000xi32, #tpu.memory_space<hbm>> -> memref<1x1x10000xi32, #tpu.memory_space<hbm>>
      %dma_wait3A_39 = tpu.memref_squeeze %dma_wait3A_38 : memref<1x1x10000xi32, #tpu.memory_space<hbm>> -> memref<10000xi32, #tpu.memory_space<hbm>>
      tpu.wait_dma2 semaphore(%run_scoped3A_27 : memref<!tpu.dma_semaphore, #tpu.memory_space<semaphore_mem>>) src(%dma_wait3A_39 : memref<10000xi32, #tpu.memory_space<hbm>>) dst(%arg7 : memref<10000xi32, #tpu.memory_space<vmem>>)
      tpu.yield
    }) : () -> ()
    %dma_start3A = arith.constant 0 : i32
    %dma_start3A_0 = tpu.memref_slice %arg7[%dma_start3A] : memref<10000xi32, #tpu.memory_space<vmem>> -> memref<80xi32, #tpu.memory_space<vmem>>
    %dma_start3A_1 = arith.constant 0 : i32
    %dma_start3A_2 = arith.constant 0 : i32
    %dma_start3A_3 = tpu.memref_slice %arg2[%dma_start3A_1, %dma_start3A_2] : memref<10000x128xf32, #tpu.memory_space<hbm>> -> memref<10000x128xf32, #tpu.memory_space<hbm>>
    tpu.enqueue_indirect_dma source(%dma_start3A_3 : memref<10000x128xf32, #tpu.memory_space<hbm>>) target(%arg9 : memref<80x128xf32, #tpu.memory_space<vmem>>) offsets(%dma_start3A_0 : memref<80xi32, #tpu.memory_space<vmem>>) semaphore(%arg12 : memref<!tpu.dma_semaphore, #tpu.memory_space<semaphore_mem>>)
    %dma_start3A_4 = arith.constant 80 : i32
    %dma_start3A_5 = tpu.memref_slice %arg7[%dma_start3A_4] : memref<10000xi32, #tpu.memory_space<vmem>> -> memref<80xi32, #tpu.memory_space<vmem>>
    %dma_start3A_6 = arith.constant 0 : i32
    %dma_start3A_7 = arith.constant 0 : i32
    %dma_start3A_8 = tpu.memref_slice %arg2[%dma_start3A_6, %dma_start3A_7] : memref<10000x128xf32, #tpu.memory_space<hbm>> -> memref<10000x128xf32, #tpu.memory_space<hbm>>
    tpu.enqueue_indirect_dma source(%dma_start3A_8 : memref<10000x128xf32, #tpu.memory_space<hbm>>) target(%arg10 : memref<80x128xf32, #tpu.memory_space<vmem>>) offsets(%dma_start3A_5 : memref<80xi32, #tpu.memory_space<vmem>>) semaphore(%arg13 : memref<!tpu.dma_semaphore, #tpu.memory_space<semaphore_mem>>)
    "tpu.region"() ({
      %run_scoped3A_27 = tpu.sem_alloc : memref<!tpu.dma_semaphore, #tpu.memory_space<semaphore_mem>>
      %dma_start3A_28 = arith.constant 0 : i32
      %dma_start3A_29 = arith.constant 0 : i32
      %dma_start3A_30 = tpu.memref_slice %arg4[%arg0, %arg1, %dma_start3A_28, %dma_start3A_29] : memref<2x16x125x80xi32, #tpu.memory_space<hbm>> -> memref<1x1x125x80xi32, #tpu.memory_space<hbm>>
      %dma_start3A_31 = tpu.memref_squeeze %dma_start3A_30 : memref<1x1x125x80xi32, #tpu.memory_space<hbm>> -> memref<125x80xi32, #tpu.memory_space<hbm>>
      %dma_start3A_32 = arith.constant 0 : i32
      %dma_start3A_33 = arith.constant 0 : i32
      %dma_start3A_34 = tpu.memref_slice %arg4[%arg0, %arg1, %dma_start3A_32, %dma_start3A_33] : memref<2x16x125x80xi32, #tpu.memory_space<hbm>> -> memref<1x1x125x80xi32, #tpu.memory_space<hbm>>
      %dma_start3A_35 = tpu.memref_squeeze %dma_start3A_34 : memref<1x1x125x80xi32, #tpu.memory_space<hbm>> -> memref<125x80xi32, #tpu.memory_space<hbm>>
      tpu.enqueue_dma source(%dma_start3A_35 : memref<125x80xi32, #tpu.memory_space<hbm>>) target(%arg8 : memref<125x80xi32, #tpu.memory_space<vmem>>) target_semaphore(%run_scoped3A_27 : memref<!tpu.dma_semaphore, #tpu.memory_space<semaphore_mem>>)
      %dma_wait3A_36 = arith.constant 0 : i32
      %dma_wait3A_37 = arith.constant 0 : i32
      %dma_wait3A_38 = tpu.memref_slice %arg4[%arg0, %arg1, %dma_wait3A_36, %dma_wait3A_37] : memref<2x16x125x80xi32, #tpu.memory_space<hbm>> -> memref<1x1x125x80xi32, #tpu.memory_space<hbm>>
      %dma_wait3A_39 = tpu.memref_squeeze %dma_wait3A_38 : memref<1x1x125x80xi32, #tpu.memory_space<hbm>> -> memref<125x80xi32, #tpu.memory_space<hbm>>
      %dma_wait3A_40 = arith.constant 0 : i32
      %dma_wait3A_41 = arith.constant 0 : i32
      %dma_wait3A_42 = tpu.memref_slice %arg4[%arg0, %arg1, %dma_wait3A_40, %dma_wait3A_41] : memref<2x16x125x80xi32, #tpu.memory_space<hbm>> -> memref<1x1x125x80xi32, #tpu.memory_space<hbm>>
      %dma_wait3A_43 = tpu.memref_squeeze %dma_wait3A_42 : memref<1x1x125x80xi32, #tpu.memory_space<hbm>> -> memref<125x80xi32, #tpu.memory_space<hbm>>
      tpu.wait_dma2 semaphore(%run_scoped3A_27 : memref<!tpu.dma_semaphore, #tpu.memory_space<semaphore_mem>>) src(%dma_wait3A_43 : memref<125x80xi32, #tpu.memory_space<hbm>>) dst(%arg8 : memref<125x80xi32, #tpu.memory_space<vmem>>)
      tpu.yield
    }) : () -> ()
    %mul3A = arith.constant 624 : i32
    %mul3A_9 = arith.muli %arg1, %mul3A : i32
    "tpu.region"() ({
      %run_scoped3A_27 = tpu.sem_alloc : memref<!tpu.dma_semaphore, #tpu.memory_space<semaphore_mem>>
      %dma_start3A_28 = arith.constant 0 : i32
      %dma_start3A_29 = tpu.memref_slice %arg11[%mul3A_9, %dma_start3A_28] : memref<10000x128xf32, #tpu.memory_space<vmem_shared>> -> memref<624x128xf32, #tpu.memory_space<vmem_shared>>
      %dma_start3A_30 = arith.constant 0 : i32
      %dma_start3A_31 = tpu.memref_slice %arg5[%mul3A_9, %dma_start3A_30] : memref<10000x128xf32, #tpu.memory_space<hbm>> -> memref<624x128xf32, #tpu.memory_space<hbm>>
      tpu.enqueue_dma source(%dma_start3A_31 : memref<624x128xf32, #tpu.memory_space<hbm>>) target(%dma_start3A_29 : memref<624x128xf32, #tpu.memory_space<vmem_shared>>) target_semaphore(%run_scoped3A_27 : memref<!tpu.dma_semaphore, #tpu.memory_space<semaphore_mem>>)
      %dma_wait3A_32 = arith.constant 0 : i32
      %dma_wait3A_33 = tpu.memref_slice %arg11[%mul3A_9, %dma_wait3A_32] : memref<10000x128xf32, #tpu.memory_space<vmem_shared>> -> memref<624x128xf32, #tpu.memory_space<vmem_shared>>
      %dma_wait3A_34 = arith.constant 0 : i32
      %dma_wait3A_35 = tpu.memref_slice %arg5[%mul3A_9, %dma_wait3A_34] : memref<10000x128xf32, #tpu.memory_space<hbm>> -> memref<624x128xf32, #tpu.memory_space<hbm>>
      tpu.wait_dma2 semaphore(%run_scoped3A_27 : memref<!tpu.dma_semaphore, #tpu.memory_space<semaphore_mem>>) src(%dma_wait3A_35 : memref<624x128xf32, #tpu.memory_space<hbm>>) dst(%dma_wait3A_33 : memref<624x128xf32, #tpu.memory_space<vmem_shared>>)
      tpu.yield
    }) : () -> ()
    %eq3A = arith.constant 15 : i32
    %eq3A_10 = arith.cmpi eq, %arg1, %eq3A : i32
    %convert_element_type3A = arith.extui %eq3A_10 : i1 to i32
    %cond3A = arith.constant 0 : i32
    %cond3A_11 = arith.cmpi ne, %convert_element_type3A, %cond3A : i32
    scf.if %cond3A_11 {
      "tpu.region"() ({
        %run_scoped3A_27 = tpu.sem_alloc : memref<!tpu.dma_semaphore, #tpu.memory_space<semaphore_mem>>
        %dma_start3A_28 = arith.constant 9984 : i32
        %dma_start3A_29 = arith.constant 0 : i32
        %dma_start3A_30 = tpu.memref_slice %arg11[%dma_start3A_28, %dma_start3A_29] : memref<10000x128xf32, #tpu.memory_space<vmem_shared>> -> memref<16x128xf32, #tpu.memory_space<vmem_shared>>
        %dma_start3A_31 = arith.constant 9984 : i32
        %dma_start3A_32 = arith.constant 0 : i32
        %dma_start3A_33 = tpu.memref_slice %arg5[%dma_start3A_31, %dma_start3A_32] : memref<10000x128xf32, #tpu.memory_space<hbm>> -> memref<16x128xf32, #tpu.memory_space<hbm>>
        tpu.enqueue_dma source(%dma_start3A_33 : memref<16x128xf32, #tpu.memory_space<hbm>>) target(%dma_start3A_30 : memref<16x128xf32, #tpu.memory_space<vmem_shared>>) target_semaphore(%run_scoped3A_27 : memref<!tpu.dma_semaphore, #tpu.memory_space<semaphore_mem>>)
        %dma_wait3A_34 = arith.constant 9984 : i32
        %dma_wait3A_35 = arith.constant 0 : i32
        %dma_wait3A_36 = tpu.memref_slice %arg11[%dma_wait3A_34, %dma_wait3A_35] : memref<10000x128xf32, #tpu.memory_space<vmem_shared>> -> memref<16x128xf32, #tpu.memory_space<vmem_shared>>
        %dma_wait3A_37 = arith.constant 9984 : i32
        %dma_wait3A_38 = arith.constant 0 : i32
        %dma_wait3A_39 = tpu.memref_slice %arg5[%dma_wait3A_37, %dma_wait3A_38] : memref<10000x128xf32, #tpu.memory_space<hbm>> -> memref<16x128xf32, #tpu.memory_space<hbm>>
        tpu.wait_dma2 semaphore(%run_scoped3A_27 : memref<!tpu.dma_semaphore, #tpu.memory_space<semaphore_mem>>) src(%dma_wait3A_39 : memref<16x128xf32, #tpu.memory_space<hbm>>) dst(%dma_wait3A_36 : memref<16x128xf32, #tpu.memory_space<vmem_shared>>)
        tpu.yield
      }) : () -> ()
    } else {
    }
    %barrier3A = arith.constant 0 : index
    tpu.barrier barrier_id(%barrier3A)
    %scan3A = arith.constant 0 : i32
    %scan3A_12 = arith.constant 0 : i32
    %scan3A_13 = arith.constant 62 : i32
    %scan3A_14 = arith.addi %scan3A_12, %scan3A_13 : i32
    %scan3A_15 = arith.constant 1 : i32
    scf.for %scan3A_27 = %scan3A_12 to %scan3A_14 step %scan3A_15  : i32 {
      %mul3A_28 = arith.constant 2 : i32
      %mul3A_29 = arith.muli %scan3A_27, %mul3A_28 : i32
      %add3A = arith.constant 0 : i32
      %add3A_30 = arith.addi %mul3A_29, %add3A : i32
      %mul3A_31 = arith.constant 80 : i32
      %mul3A_32 = arith.muli %add3A_30, %mul3A_31 : i32
      %dma_wait3A_33 = tpu.memref_slice %arg7[%mul3A_32] : memref<10000xi32, #tpu.memory_space<vmem>> -> memref<80xi32, #tpu.memory_space<vmem>>
      %dma_wait3A_34 = arith.constant 0 : i32
      %dma_wait3A_35 = arith.constant 0 : i32
      %dma_wait3A_36 = tpu.memref_slice %arg2[%dma_wait3A_34, %dma_wait3A_35] : memref<10000x128xf32, #tpu.memory_space<hbm>> -> memref<10000x128xf32, #tpu.memory_space<hbm>>
      tpu.wait_indirect_dma semaphore(%arg12 : memref<!tpu.dma_semaphore, #tpu.memory_space<semaphore_mem>>) src(%dma_wait3A_36 : memref<10000x128xf32, #tpu.memory_space<hbm>>) dst(%arg9 : memref<80x128xf32, #tpu.memory_space<vmem>>)
      %add3A_37 = arith.constant 0 : i32
      %add3A_38 = arith.addi %mul3A_29, %add3A_37 : i32
      %dma_start3A_39 = arith.constant 0 : i32
      %dma_start3A_40 = tpu.memref_slice %arg8[%add3A_38, %dma_start3A_39] : memref<125x80xi32, #tpu.memory_space<vmem>> -> memref<1x80xi32, #tpu.memory_space<vmem>>
      %dma_start3A_41 = tpu.memref_squeeze %dma_start3A_40 : memref<1x80xi32, #tpu.memory_space<vmem>> -> memref<80xi32, #tpu.memory_space<vmem>>
      %dma_start3A_42 = arith.constant 0 : i32
      %dma_start3A_43 = arith.constant 0 : i32
      %dma_start3A_44 = tpu.memref_slice %arg11[%dma_start3A_42, %dma_start3A_43] : memref<10000x128xf32, #tpu.memory_space<vmem_shared>> -> memref<10000x128xf32, #tpu.memory_space<vmem_shared>>
      tpu.enqueue_indirect_dma source(%arg9 : memref<80x128xf32, #tpu.memory_space<vmem>>) target(%dma_start3A_44 : memref<10000x128xf32, #tpu.memory_space<vmem_shared>>) offsets(%dma_start3A_41 : memref<80xi32, #tpu.memory_space<vmem>>) semaphore(%arg14 : memref<!tpu.dma_semaphore, #tpu.memory_space<semaphore_mem>>) {add = true}
      %add3A_45 = arith.constant 1 : i32
      %add3A_46 = arith.addi %mul3A_29, %add3A_45 : i32
      %mul3A_47 = arith.constant 80 : i32
      %mul3A_48 = arith.muli %add3A_46, %mul3A_47 : i32
      %dma_wait3A_49 = tpu.memref_slice %arg7[%mul3A_48] : memref<10000xi32, #tpu.memory_space<vmem>> -> memref<80xi32, #tpu.memory_space<vmem>>
      %dma_wait3A_50 = arith.constant 0 : i32
      %dma_wait3A_51 = arith.constant 0 : i32
      %dma_wait3A_52 = tpu.memref_slice %arg2[%dma_wait3A_50, %dma_wait3A_51] : memref<10000x128xf32, #tpu.memory_space<hbm>> -> memref<10000x128xf32, #tpu.memory_space<hbm>>
      tpu.wait_indirect_dma semaphore(%arg13 : memref<!tpu.dma_semaphore, #tpu.memory_space<semaphore_mem>>) src(%dma_wait3A_52 : memref<10000x128xf32, #tpu.memory_space<hbm>>) dst(%arg10 : memref<80x128xf32, #tpu.memory_space<vmem>>)
      %add3A_53 = arith.constant 1 : i32
      %add3A_54 = arith.addi %mul3A_29, %add3A_53 : i32
      %dma_start3A_55 = arith.constant 0 : i32
      %dma_start3A_56 = tpu.memref_slice %arg8[%add3A_54, %dma_start3A_55] : memref<125x80xi32, #tpu.memory_space<vmem>> -> memref<1x80xi32, #tpu.memory_space<vmem>>
      %dma_start3A_57 = tpu.memref_squeeze %dma_start3A_56 : memref<1x80xi32, #tpu.memory_space<vmem>> -> memref<80xi32, #tpu.memory_space<vmem>>
      %dma_start3A_58 = arith.constant 0 : i32
      %dma_start3A_59 = arith.constant 0 : i32
      %dma_start3A_60 = tpu.memref_slice %arg11[%dma_start3A_58, %dma_start3A_59] : memref<10000x128xf32, #tpu.memory_space<vmem_shared>> -> memref<10000x128xf32, #tpu.memory_space<vmem_shared>>
      tpu.enqueue_indirect_dma source(%arg10 : memref<80x128xf32, #tpu.memory_space<vmem>>) target(%dma_start3A_60 : memref<10000x128xf32, #tpu.memory_space<vmem_shared>>) offsets(%dma_start3A_57 : memref<80xi32, #tpu.memory_space<vmem>>) semaphore(%arg15 : memref<!tpu.dma_semaphore, #tpu.memory_space<semaphore_mem>>) {add = true}
      %add3A_61 = arith.constant 0 : i32
      %add3A_62 = arith.addi %mul3A_29, %add3A_61 : i32
      %dma_wait3A_63 = arith.constant 0 : i32
      %dma_wait3A_64 = tpu.memref_slice %arg8[%add3A_62, %dma_wait3A_63] : memref<125x80xi32, #tpu.memory_space<vmem>> -> memref<1x80xi32, #tpu.memory_space<vmem>>
      %dma_wait3A_65 = tpu.memref_squeeze %dma_wait3A_64 : memref<1x80xi32, #tpu.memory_space<vmem>> -> memref<80xi32, #tpu.memory_space<vmem>>
      %dma_wait3A_66 = arith.constant 0 : i32
      %dma_wait3A_67 = arith.constant 0 : i32
      %dma_wait3A_68 = tpu.memref_slice %arg11[%dma_wait3A_66, %dma_wait3A_67] : memref<10000x128xf32, #tpu.memory_space<vmem_shared>> -> memref<10000x128xf32, #tpu.memory_space<vmem_shared>>
      tpu.wait_indirect_dma semaphore(%arg14 : memref<!tpu.dma_semaphore, #tpu.memory_space<semaphore_mem>>) src(%arg9 : memref<80x128xf32, #tpu.memory_space<vmem>>) dst(%dma_wait3A_68 : memref<10000x128xf32, #tpu.memory_space<vmem_shared>>)
      %add3A_69 = arith.constant 2 : i32
      %add3A_70 = arith.addi %mul3A_29, %add3A_69 : i32
      %add3A_71 = arith.constant 0 : i32
      %add3A_72 = arith.addi %add3A_70, %add3A_71 : i32
      %lt3A = arith.constant 125 : i32
      %lt3A_73 = arith.cmpi slt, %add3A_72, %lt3A : i32
      %convert_element_type3A_74 = arith.extui %lt3A_73 : i1 to i32
      %cond3A_75 = arith.constant 0 : i32
      %cond3A_76 = arith.cmpi ne, %convert_element_type3A_74, %cond3A_75 : i32
      scf.if %cond3A_76 {
        %add3A_94 = arith.constant 2 : i32
        %add3A_95 = arith.addi %mul3A_29, %add3A_94 : i32
        %add3A_96 = arith.constant 0 : i32
        %add3A_97 = arith.addi %add3A_95, %add3A_96 : i32
        %mul3A_98 = arith.constant 80 : i32
        %mul3A_99 = arith.muli %add3A_97, %mul3A_98 : i32
        %dma_start3A_100 = tpu.memref_slice %arg7[%mul3A_99] : memref<10000xi32, #tpu.memory_space<vmem>> -> memref<80xi32, #tpu.memory_space<vmem>>
        %dma_start3A_101 = arith.constant 0 : i32
        %dma_start3A_102 = arith.constant 0 : i32
        %dma_start3A_103 = tpu.memref_slice %arg2[%dma_start3A_101, %dma_start3A_102] : memref<10000x128xf32, #tpu.memory_space<hbm>> -> memref<10000x128xf32, #tpu.memory_space<hbm>>
        tpu.enqueue_indirect_dma source(%dma_start3A_103 : memref<10000x128xf32, #tpu.memory_space<hbm>>) target(%arg9 : memref<80x128xf32, #tpu.memory_space<vmem>>) offsets(%dma_start3A_100 : memref<80xi32, #tpu.memory_space<vmem>>) semaphore(%arg12 : memref<!tpu.dma_semaphore, #tpu.memory_space<semaphore_mem>>)
      } else {
      }
      %add3A_77 = arith.constant 1 : i32
      %add3A_78 = arith.addi %mul3A_29, %add3A_77 : i32
      %dma_wait3A_79 = arith.constant 0 : i32
      %dma_wait3A_80 = tpu.memref_slice %arg8[%add3A_78, %dma_wait3A_79] : memref<125x80xi32, #tpu.memory_space<vmem>> -> memref<1x80xi32, #tpu.memory_space<vmem>>
      %dma_wait3A_81 = tpu.memref_squeeze %dma_wait3A_80 : memref<1x80xi32, #tpu.memory_space<vmem>> -> memref<80xi32, #tpu.memory_space<vmem>>
      %dma_wait3A_82 = arith.constant 0 : i32
      %dma_wait3A_83 = arith.constant 0 : i32
      %dma_wait3A_84 = tpu.memref_slice %arg11[%dma_wait3A_82, %dma_wait3A_83] : memref<10000x128xf32, #tpu.memory_space<vmem_shared>> -> memref<10000x128xf32, #tpu.memory_space<vmem_shared>>
      tpu.wait_indirect_dma semaphore(%arg15 : memref<!tpu.dma_semaphore, #tpu.memory_space<semaphore_mem>>) src(%arg10 : memref<80x128xf32, #tpu.memory_space<vmem>>) dst(%dma_wait3A_84 : memref<10000x128xf32, #tpu.memory_space<vmem_shared>>)
      %add3A_85 = arith.constant 2 : i32
      %add3A_86 = arith.addi %mul3A_29, %add3A_85 : i32
      %add3A_87 = arith.constant 1 : i32
      %add3A_88 = arith.addi %add3A_86, %add3A_87 : i32
      %lt3A_89 = arith.constant 125 : i32
      %lt3A_90 = arith.cmpi slt, %add3A_88, %lt3A_89 : i32
      %convert_element_type3A_91 = arith.extui %lt3A_90 : i1 to i32
      %cond3A_92 = arith.constant 0 : i32
      %cond3A_93 = arith.cmpi ne, %convert_element_type3A_91, %cond3A_92 : i32
      scf.if %cond3A_93 {
        %add3A_94 = arith.constant 2 : i32
        %add3A_95 = arith.addi %mul3A_29, %add3A_94 : i32
        %add3A_96 = arith.constant 1 : i32
        %add3A_97 = arith.addi %add3A_95, %add3A_96 : i32
        %mul3A_98 = arith.constant 80 : i32
        %mul3A_99 = arith.muli %add3A_97, %mul3A_98 : i32
        %dma_start3A_100 = tpu.memref_slice %arg7[%mul3A_99] : memref<10000xi32, #tpu.memory_space<vmem>> -> memref<80xi32, #tpu.memory_space<vmem>>
        %dma_start3A_101 = arith.constant 0 : i32
        %dma_start3A_102 = arith.constant 0 : i32
        %dma_start3A_103 = tpu.memref_slice %arg2[%dma_start3A_101, %dma_start3A_102] : memref<10000x128xf32, #tpu.memory_space<hbm>> -> memref<10000x128xf32, #tpu.memory_space<hbm>>
        tpu.enqueue_indirect_dma source(%dma_start3A_103 : memref<10000x128xf32, #tpu.memory_space<hbm>>) target(%arg10 : memref<80x128xf32, #tpu.memory_space<vmem>>) offsets(%dma_start3A_100 : memref<80xi32, #tpu.memory_space<vmem>>) semaphore(%arg13 : memref<!tpu.dma_semaphore, #tpu.memory_space<semaphore_mem>>)
      } else {
      }
    }
    %scan3A_16 = arith.constant 62 : i32
    %dma_wait3A = arith.constant 9920 : i32
    %dma_wait3A_17 = tpu.memref_slice %arg7[%dma_wait3A] : memref<10000xi32, #tpu.memory_space<vmem>> -> memref<80xi32, #tpu.memory_space<vmem>>
    %dma_wait3A_18 = arith.constant 0 : i32
    %dma_wait3A_19 = arith.constant 0 : i32
    %dma_wait3A_20 = tpu.memref_slice %arg2[%dma_wait3A_18, %dma_wait3A_19] : memref<10000x128xf32, #tpu.memory_space<hbm>> -> memref<10000x128xf32, #tpu.memory_space<hbm>>
    tpu.wait_indirect_dma semaphore(%arg12 : memref<!tpu.dma_semaphore, #tpu.memory_space<semaphore_mem>>) src(%dma_wait3A_20 : memref<10000x128xf32, #tpu.memory_space<hbm>>) dst(%arg9 : memref<80x128xf32, #tpu.memory_space<vmem>>)
    %run_scoped3A = arith.constant 124 : i32
    "tpu.region"() ({
      %run_scoped3A_27 = tpu.sem_alloc : memref<!tpu.dma_semaphore, #tpu.memory_space<semaphore_mem>>
      %dma_start3A_28 = arith.constant 0 : i32
      %dma_start3A_29 = tpu.memref_slice %arg8[%run_scoped3A, %dma_start3A_28] : memref<125x80xi32, #tpu.memory_space<vmem>> -> memref<1x80xi32, #tpu.memory_space<vmem>>
      %dma_start3A_30 = tpu.memref_squeeze %dma_start3A_29 : memref<1x80xi32, #tpu.memory_space<vmem>> -> memref<80xi32, #tpu.memory_space<vmem>>
      %dma_start3A_31 = arith.constant 0 : i32
      %dma_start3A_32 = arith.constant 0 : i32
      %dma_start3A_33 = tpu.memref_slice %arg11[%dma_start3A_31, %dma_start3A_32] : memref<10000x128xf32, #tpu.memory_space<vmem_shared>> -> memref<10000x128xf32, #tpu.memory_space<vmem_shared>>
      tpu.enqueue_indirect_dma source(%arg9 : memref<80x128xf32, #tpu.memory_space<vmem>>) target(%dma_start3A_33 : memref<10000x128xf32, #tpu.memory_space<vmem_shared>>) offsets(%dma_start3A_30 : memref<80xi32, #tpu.memory_space<vmem>>) semaphore(%run_scoped3A_27 : memref<!tpu.dma_semaphore, #tpu.memory_space<semaphore_mem>>) {add = true}
      %dma_wait3A_34 = arith.constant 0 : i32
      %dma_wait3A_35 = tpu.memref_slice %arg8[%run_scoped3A, %dma_wait3A_34] : memref<125x80xi32, #tpu.memory_space<vmem>> -> memref<1x80xi32, #tpu.memory_space<vmem>>
      %dma_wait3A_36 = tpu.memref_squeeze %dma_wait3A_35 : memref<1x80xi32, #tpu.memory_space<vmem>> -> memref<80xi32, #tpu.memory_space<vmem>>
      %dma_wait3A_37 = arith.constant 0 : i32
      %dma_wait3A_38 = arith.constant 0 : i32
      %dma_wait3A_39 = tpu.memref_slice %arg11[%dma_wait3A_37, %dma_wait3A_38] : memref<10000x128xf32, #tpu.memory_space<vmem_shared>> -> memref<10000x128xf32, #tpu.memory_space<vmem_shared>>
      tpu.wait_indirect_dma semaphore(%run_scoped3A_27 : memref<!tpu.dma_semaphore, #tpu.memory_space<semaphore_mem>>) src(%arg9 : memref<80x128xf32, #tpu.memory_space<vmem>>) dst(%dma_wait3A_39 : memref<10000x128xf32, #tpu.memory_space<vmem_shared>>)
      tpu.yield
    }) : () -> ()
    %barrier3A_21 = arith.constant 0 : index
    tpu.barrier barrier_id(%barrier3A_21)
    "tpu.region"() ({
      %run_scoped3A_27 = tpu.sem_alloc : memref<!tpu.dma_semaphore, #tpu.memory_space<semaphore_mem>>
      %dma_start3A_28 = arith.constant 0 : i32
      %dma_start3A_29 = tpu.memref_slice %arg6[%arg0, %mul3A_9, %dma_start3A_28] : memref<2x10000x128xf32, #tpu.memory_space<hbm>> -> memref<1x624x128xf32, #tpu.memory_space<hbm>>
      %dma_start3A_30 = tpu.memref_squeeze %dma_start3A_29 : memref<1x624x128xf32, #tpu.memory_space<hbm>> -> memref<624x128xf32, #tpu.memory_space<hbm>>
      %dma_start3A_31 = arith.constant 0 : i32
      %dma_start3A_32 = tpu.memref_slice %arg11[%mul3A_9, %dma_start3A_31] : memref<10000x128xf32, #tpu.memory_space<vmem_shared>> -> memref<624x128xf32, #tpu.memory_space<vmem_shared>>
      tpu.enqueue_dma source(%dma_start3A_32 : memref<624x128xf32, #tpu.memory_space<vmem_shared>>) target(%dma_start3A_30 : memref<624x128xf32, #tpu.memory_space<hbm>>) target_semaphore(%run_scoped3A_27 : memref<!tpu.dma_semaphore, #tpu.memory_space<semaphore_mem>>)
      %dma_wait3A_33 = arith.constant 0 : i32
      %dma_wait3A_34 = tpu.memref_slice %arg6[%arg0, %mul3A_9, %dma_wait3A_33] : memref<2x10000x128xf32, #tpu.memory_space<hbm>> -> memref<1x624x128xf32, #tpu.memory_space<hbm>>
      %dma_wait3A_35 = tpu.memref_squeeze %dma_wait3A_34 : memref<1x624x128xf32, #tpu.memory_space<hbm>> -> memref<624x128xf32, #tpu.memory_space<hbm>>
      %dma_wait3A_36 = arith.constant 0 : i32
      %dma_wait3A_37 = tpu.memref_slice %arg11[%mul3A_9, %dma_wait3A_36] : memref<10000x128xf32, #tpu.memory_space<vmem_shared>> -> memref<624x128xf32, #tpu.memory_space<vmem_shared>>
      tpu.wait_dma2 semaphore(%run_scoped3A_27 : memref<!tpu.dma_semaphore, #tpu.memory_space<semaphore_mem>>) src(%dma_wait3A_37 : memref<624x128xf32, #tpu.memory_space<vmem_shared>>) dst(%dma_wait3A_35 : memref<624x128xf32, #tpu.memory_space<hbm>>)
      tpu.yield
    }) : () -> ()
    %eq3A_22 = arith.constant 15 : i32
    %eq3A_23 = arith.cmpi eq, %arg1, %eq3A_22 : i32
    %convert_element_type3A_24 = arith.extui %eq3A_23 : i1 to i32
    %cond3A_25 = arith.constant 0 : i32
    %cond3A_26 = arith.cmpi ne, %convert_element_type3A_24, %cond3A_25 : i32
    scf.if %cond3A_26 {
      "tpu.region"() ({
        %run_scoped3A_27 = tpu.sem_alloc : memref<!tpu.dma_semaphore, #tpu.memory_space<semaphore_mem>>
        %dma_start3A_28 = arith.constant 9984 : i32
        %dma_start3A_29 = arith.constant 0 : i32
        %dma_start3A_30 = tpu.memref_slice %arg6[%arg0, %dma_start3A_28, %dma_start3A_29] : memref<2x10000x128xf32, #tpu.memory_space<hbm>> -> memref<1x16x128xf32, #tpu.memory_space<hbm>>
        %dma_start3A_31 = tpu.memref_squeeze %dma_start3A_30 : memref<1x16x128xf32, #tpu.memory_space<hbm>> -> memref<16x128xf32, #tpu.memory_space<hbm>>
        %dma_start3A_32 = arith.constant 9984 : i32
        %dma_start3A_33 = arith.constant 0 : i32
        %dma_start3A_34 = tpu.memref_slice %arg11[%dma_start3A_32, %dma_start3A_33] : memref<10000x128xf32, #tpu.memory_space<vmem_shared>> -> memref<16x128xf32, #tpu.memory_space<vmem_shared>>
        tpu.enqueue_dma source(%dma_start3A_34 : memref<16x128xf32, #tpu.memory_space<vmem_shared>>) target(%dma_start3A_31 : memref<16x128xf32, #tpu.memory_space<hbm>>) target_semaphore(%run_scoped3A_27 : memref<!tpu.dma_semaphore, #tpu.memory_space<semaphore_mem>>)
        %dma_wait3A_35 = arith.constant 9984 : i32
        %dma_wait3A_36 = arith.constant 0 : i32
        %dma_wait3A_37 = tpu.memref_slice %arg6[%arg0, %dma_wait3A_35, %dma_wait3A_36] : memref<2x10000x128xf32, #tpu.memory_space<hbm>> -> memref<1x16x128xf32, #tpu.memory_space<hbm>>
        %dma_wait3A_38 = tpu.memref_squeeze %dma_wait3A_37 : memref<1x16x128xf32, #tpu.memory_space<hbm>> -> memref<16x128xf32, #tpu.memory_space<hbm>>
        %dma_wait3A_39 = arith.constant 9984 : i32
        %dma_wait3A_40 = arith.constant 0 : i32
        %dma_wait3A_41 = tpu.memref_slice %arg11[%dma_wait3A_39, %dma_wait3A_40] : memref<10000x128xf32, #tpu.memory_space<vmem_shared>> -> memref<16x128xf32, #tpu.memory_space<vmem_shared>>
        tpu.wait_dma2 semaphore(%run_scoped3A_27 : memref<!tpu.dma_semaphore, #tpu.memory_space<semaphore_mem>>) src(%dma_wait3A_41 : memref<16x128xf32, #tpu.memory_space<vmem_shared>>) dst(%dma_wait3A_38 : memref<16x128xf32, #tpu.memory_space<hbm>>)
        tpu.yield
      }) : () -> ()
    } else {
    }
    return
  }
}

#map = affine_map<(d0, d1) -> (0, 0)>
#map1 = affine_map<(d0, d1) -> (0, 0, 0)>
#map2 = affine_map<(d0, d1) -> (0, 0, 0, 0)>
module attributes {stable_mosaic.version = 14 : i64} {
  func.func @_sc_segsum_body(%arg0: i32, %arg1: i32, %arg2: memref<10000x128xf32, #tpu.memory_space<hbm>>, %arg3: memref<2x16x10000xi32, #tpu.memory_space<hbm>>, %arg4: memref<2x16x125x80xi32, #tpu.memory_space<hbm>>, %arg5: memref<10000x128xf32, #tpu.memory_space<hbm>>, %arg6: memref<2x10000x128xf32, #tpu.memory_space<hbm>>, %arg7: memref<10000xi32, #tpu.memory_space<vmem>>, %arg8: memref<125x80xi32, #tpu.memory_space<vmem>>, %arg9: memref<80x128xf32, #tpu.memory_space<vmem>>, %arg10: memref<80x128xf32, #tpu.memory_space<vmem>>, %arg11: memref<10000x128xf32, #tpu.memory_space<vmem_shared>>, %arg12: memref<!tpu.dma_semaphore, #tpu.memory_space<semaphore_mem>>, %arg13: memref<!tpu.dma_semaphore, #tpu.memory_space<semaphore_mem>>, %arg14: memref<!tpu.dma_semaphore, #tpu.memory_space<semaphore_mem>>, %arg15: memref<!tpu.dma_semaphore, #tpu.memory_space<semaphore_mem>>) attributes {dimension_semantics = [#tpu.dimension_semantics<core_parallel>, #tpu.dimension_semantics<subcore_parallel>], iteration_bounds = array<i64: 2, 16>, scalar_prefetch = 0 : i64, scratch_operands = 9 : i64, tpu.core_type = #tpu.core_type<sc_vector_subcore>, window_params = [{transform_indices = #map}, {transform_indices = #map1}, {transform_indices = #map2}, {transform_indices = #map}, {transform_indices = #map1}]} {
    "tpu.region"() ({
      %run_scoped3A_27 = tpu.sem_alloc : memref<!tpu.dma_semaphore, #tpu.memory_space<semaphore_mem>>
      %dma_start3A_28 = arith.constant 0 : i32
      %dma_start3A_29 = tpu.memref_slice %arg3[%arg0, %arg1, %dma_start3A_28] : memref<2x16x10000xi32, #tpu.memory_space<hbm>> -> memref<1x1x10000xi32, #tpu.memory_space<hbm>>
      %dma_start3A_30 = tpu.memref_squeeze %dma_start3A_29 : memref<1x1x10000xi32, #tpu.memory_space<hbm>> -> memref<10000xi32, #tpu.memory_space<hbm>>
      %dma_start3A_31 = arith.constant 0 : i32
      %dma_start3A_32 = tpu.memref_slice %arg3[%arg0, %arg1, %dma_start3A_31] : memref<2x16x10000xi32, #tpu.memory_space<hbm>> -> memref<1x1x10000xi32, #tpu.memory_space<hbm>>
      %dma_start3A_33 = tpu.memref_squeeze %dma_start3A_32 : memref<1x1x10000xi32, #tpu.memory_space<hbm>> -> memref<10000xi32, #tpu.memory_space<hbm>>
      tpu.enqueue_dma source(%dma_start3A_33 : memref<10000xi32, #tpu.memory_space<hbm>>) target(%arg7 : memref<10000xi32, #tpu.memory_space<vmem>>) target_semaphore(%run_scoped3A_27 : memref<!tpu.dma_semaphore, #tpu.memory_space<semaphore_mem>>)
      %dma_wait3A_34 = arith.constant 0 : i32
      %dma_wait3A_35 = tpu.memref_slice %arg3[%arg0, %arg1, %dma_wait3A_34] : memref<2x16x10000xi32, #tpu.memory_space<hbm>> -> memref<1x1x10000xi32, #tpu.memory_space<hbm>>
      %dma_wait3A_36 = tpu.memref_squeeze %dma_wait3A_35 : memref<1x1x10000xi32, #tpu.memory_space<hbm>> -> memref<10000xi32, #tpu.memory_space<hbm>>
      %dma_wait3A_37 = arith.constant 0 : i32
      %dma_wait3A_38 = tpu.memref_slice %arg3[%arg0, %arg1, %dma_wait3A_37] : memref<2x16x10000xi32, #tpu.memory_space<hbm>> -> memref<1x1x10000xi32, #tpu.memory_space<hbm>>
      %dma_wait3A_39 = tpu.memref_squeeze %dma_wait3A_38 : memref<1x1x10000xi32, #tpu.memory_space<hbm>> -> memref<10000xi32, #tpu.memory_space<hbm>>
      tpu.wait_dma2 semaphore(%run_scoped3A_27 : memref<!tpu.dma_semaphore, #tpu.memory_space<semaphore_mem>>) src(%dma_wait3A_39 : memref<10000xi32, #tpu.memory_space<hbm>>) dst(%arg7 : memref<10000xi32, #tpu.memory_space<vmem>>)
      tpu.yield
    }) : () -> ()
    %dma_start3A = arith.constant 0 : i32
    %dma_start3A_0 = tpu.memref_slice %arg7[%dma_start3A] : memref<10000xi32, #tpu.memory_space<vmem>> -> memref<80xi32, #tpu.memory_space<vmem>>
    %dma_start3A_1 = arith.constant 0 : i32
    %dma_start3A_2 = arith.constant 0 : i32
    %dma_start3A_3 = tpu.memref_slice %arg2[%dma_start3A_1, %dma_start3A_2] : memref<10000x128xf32, #tpu.memory_space<hbm>> -> memref<10000x128xf32, #tpu.memory_space<hbm>>
    tpu.enqueue_indirect_dma source(%dma_start3A_3 : memref<10000x128xf32, #tpu.memory_space<hbm>>) target(%arg9 : memref<80x128xf32, #tpu.memory_space<vmem>>) offsets(%dma_start3A_0 : memref<80xi32, #tpu.memory_space<vmem>>) semaphore(%arg12 : memref<!tpu.dma_semaphore, #tpu.memory_space<semaphore_mem>>)
    %dma_start3A_4 = arith.constant 80 : i32
    %dma_start3A_5 = tpu.memref_slice %arg7[%dma_start3A_4] : memref<10000xi32, #tpu.memory_space<vmem>> -> memref<80xi32, #tpu.memory_space<vmem>>
    %dma_start3A_6 = arith.constant 0 : i32
    %dma_start3A_7 = arith.constant 0 : i32
    %dma_start3A_8 = tpu.memref_slice %arg2[%dma_start3A_6, %dma_start3A_7] : memref<10000x128xf32, #tpu.memory_space<hbm>> -> memref<10000x128xf32, #tpu.memory_space<hbm>>
    tpu.enqueue_indirect_dma source(%dma_start3A_8 : memref<10000x128xf32, #tpu.memory_space<hbm>>) target(%arg10 : memref<80x128xf32, #tpu.memory_space<vmem>>) offsets(%dma_start3A_5 : memref<80xi32, #tpu.memory_space<vmem>>) semaphore(%arg13 : memref<!tpu.dma_semaphore, #tpu.memory_space<semaphore_mem>>)
    "tpu.region"() ({
      %run_scoped3A_27 = tpu.sem_alloc : memref<!tpu.dma_semaphore, #tpu.memory_space<semaphore_mem>>
      %dma_start3A_28 = arith.constant 0 : i32
      %dma_start3A_29 = arith.constant 0 : i32
      %dma_start3A_30 = tpu.memref_slice %arg4[%arg0, %arg1, %dma_start3A_28, %dma_start3A_29] : memref<2x16x125x80xi32, #tpu.memory_space<hbm>> -> memref<1x1x125x80xi32, #tpu.memory_space<hbm>>
      %dma_start3A_31 = tpu.memref_squeeze %dma_start3A_30 : memref<1x1x125x80xi32, #tpu.memory_space<hbm>> -> memref<125x80xi32, #tpu.memory_space<hbm>>
      %dma_start3A_32 = arith.constant 0 : i32
      %dma_start3A_33 = arith.constant 0 : i32
      %dma_start3A_34 = tpu.memref_slice %arg4[%arg0, %arg1, %dma_start3A_32, %dma_start3A_33] : memref<2x16x125x80xi32, #tpu.memory_space<hbm>> -> memref<1x1x125x80xi32, #tpu.memory_space<hbm>>
      %dma_start3A_35 = tpu.memref_squeeze %dma_start3A_34 : memref<1x1x125x80xi32, #tpu.memory_space<hbm>> -> memref<125x80xi32, #tpu.memory_space<hbm>>
      tpu.enqueue_dma source(%dma_start3A_35 : memref<125x80xi32, #tpu.memory_space<hbm>>) target(%arg8 : memref<125x80xi32, #tpu.memory_space<vmem>>) target_semaphore(%run_scoped3A_27 : memref<!tpu.dma_semaphore, #tpu.memory_space<semaphore_mem>>)
      %dma_wait3A_36 = arith.constant 0 : i32
      %dma_wait3A_37 = arith.constant 0 : i32
      %dma_wait3A_38 = tpu.memref_slice %arg4[%arg0, %arg1, %dma_wait3A_36, %dma_wait3A_37] : memref<2x16x125x80xi32, #tpu.memory_space<hbm>> -> memref<1x1x125x80xi32, #tpu.memory_space<hbm>>
      %dma_wait3A_39 = tpu.memref_squeeze %dma_wait3A_38 : memref<1x1x125x80xi32, #tpu.memory_space<hbm>> -> memref<125x80xi32, #tpu.memory_space<hbm>>
      %dma_wait3A_40 = arith.constant 0 : i32
      %dma_wait3A_41 = arith.constant 0 : i32
      %dma_wait3A_42 = tpu.memref_slice %arg4[%arg0, %arg1, %dma_wait3A_40, %dma_wait3A_41] : memref<2x16x125x80xi32, #tpu.memory_space<hbm>> -> memref<1x1x125x80xi32, #tpu.memory_space<hbm>>
      %dma_wait3A_43 = tpu.memref_squeeze %dma_wait3A_42 : memref<1x1x125x80xi32, #tpu.memory_space<hbm>> -> memref<125x80xi32, #tpu.memory_space<hbm>>
      tpu.wait_dma2 semaphore(%run_scoped3A_27 : memref<!tpu.dma_semaphore, #tpu.memory_space<semaphore_mem>>) src(%dma_wait3A_43 : memref<125x80xi32, #tpu.memory_space<hbm>>) dst(%arg8 : memref<125x80xi32, #tpu.memory_space<vmem>>)
      tpu.yield
    }) : () -> ()
    %mul3A = arith.constant 624 : i32
    %mul3A_9 = arith.muli %arg1, %mul3A : i32
    "tpu.region"() ({
      %run_scoped3A_27 = tpu.sem_alloc : memref<!tpu.dma_semaphore, #tpu.memory_space<semaphore_mem>>
      %dma_start3A_28 = arith.constant 0 : i32
      %dma_start3A_29 = tpu.memref_slice %arg11[%mul3A_9, %dma_start3A_28] : memref<10000x128xf32, #tpu.memory_space<vmem_shared>> -> memref<624x128xf32, #tpu.memory_space<vmem_shared>>
      %dma_start3A_30 = arith.constant 0 : i32
      %dma_start3A_31 = tpu.memref_slice %arg5[%mul3A_9, %dma_start3A_30] : memref<10000x128xf32, #tpu.memory_space<hbm>> -> memref<624x128xf32, #tpu.memory_space<hbm>>
      tpu.enqueue_dma source(%dma_start3A_31 : memref<624x128xf32, #tpu.memory_space<hbm>>) target(%dma_start3A_29 : memref<624x128xf32, #tpu.memory_space<vmem_shared>>) target_semaphore(%run_scoped3A_27 : memref<!tpu.dma_semaphore, #tpu.memory_space<semaphore_mem>>)
      %dma_wait3A_32 = arith.constant 0 : i32
      %dma_wait3A_33 = tpu.memref_slice %arg11[%mul3A_9, %dma_wait3A_32] : memref<10000x128xf32, #tpu.memory_space<vmem_shared>> -> memref<624x128xf32, #tpu.memory_space<vmem_shared>>
      %dma_wait3A_34 = arith.constant 0 : i32
      %dma_wait3A_35 = tpu.memref_slice %arg5[%mul3A_9, %dma_wait3A_34] : memref<10000x128xf32, #tpu.memory_space<hbm>> -> memref<624x128xf32, #tpu.memory_space<hbm>>
      tpu.wait_dma2 semaphore(%run_scoped3A_27 : memref<!tpu.dma_semaphore, #tpu.memory_space<semaphore_mem>>) src(%dma_wait3A_35 : memref<624x128xf32, #tpu.memory_space<hbm>>) dst(%dma_wait3A_33 : memref<624x128xf32, #tpu.memory_space<vmem_shared>>)
      tpu.yield
    }) : () -> ()
    %eq3A = arith.constant 15 : i32
    %eq3A_10 = arith.cmpi eq, %arg1, %eq3A : i32
    %convert_element_type3A = arith.extui %eq3A_10 : i1 to i32
    %cond3A = arith.constant 0 : i32
    %cond3A_11 = arith.cmpi ne, %convert_element_type3A, %cond3A : i32
    scf.if %cond3A_11 {
      "tpu.region"() ({
        %run_scoped3A_27 = tpu.sem_alloc : memref<!tpu.dma_semaphore, #tpu.memory_space<semaphore_mem>>
        %dma_start3A_28 = arith.constant 9984 : i32
        %dma_start3A_29 = arith.constant 0 : i32
        %dma_start3A_30 = tpu.memref_slice %arg11[%dma_start3A_28, %dma_start3A_29] : memref<10000x128xf32, #tpu.memory_space<vmem_shared>> -> memref<16x128xf32, #tpu.memory_space<vmem_shared>>
        %dma_start3A_31 = arith.constant 9984 : i32
        %dma_start3A_32 = arith.constant 0 : i32
        %dma_start3A_33 = tpu.memref_slice %arg5[%dma_start3A_31, %dma_start3A_32] : memref<10000x128xf32, #tpu.memory_space<hbm>> -> memref<16x128xf32, #tpu.memory_space<hbm>>
        tpu.enqueue_dma source(%dma_start3A_33 : memref<16x128xf32, #tpu.memory_space<hbm>>) target(%dma_start3A_30 : memref<16x128xf32, #tpu.memory_space<vmem_shared>>) target_semaphore(%run_scoped3A_27 : memref<!tpu.dma_semaphore, #tpu.memory_space<semaphore_mem>>)
        %dma_wait3A_34 = arith.constant 9984 : i32
        %dma_wait3A_35 = arith.constant 0 : i32
        %dma_wait3A_36 = tpu.memref_slice %arg11[%dma_wait3A_34, %dma_wait3A_35] : memref<10000x128xf32, #tpu.memory_space<vmem_shared>> -> memref<16x128xf32, #tpu.memory_space<vmem_shared>>
        %dma_wait3A_37 = arith.constant 9984 : i32
        %dma_wait3A_38 = arith.constant 0 : i32
        %dma_wait3A_39 = tpu.memref_slice %arg5[%dma_wait3A_37, %dma_wait3A_38] : memref<10000x128xf32, #tpu.memory_space<hbm>> -> memref<16x128xf32, #tpu.memory_space<hbm>>
        tpu.wait_dma2 semaphore(%run_scoped3A_27 : memref<!tpu.dma_semaphore, #tpu.memory_space<semaphore_mem>>) src(%dma_wait3A_39 : memref<16x128xf32, #tpu.memory_space<hbm>>) dst(%dma_wait3A_36 : memref<16x128xf32, #tpu.memory_space<vmem_shared>>)
        tpu.yield
      }) : () -> ()
    } else {
    }
    %barrier3A = arith.constant 0 : index
    tpu.barrier barrier_id(%barrier3A)
    %scan3A = arith.constant 0 : i32
    %scan3A_12 = arith.constant 0 : i32
    %scan3A_13 = arith.constant 62 : i32
    %scan3A_14 = arith.addi %scan3A_12, %scan3A_13 : i32
    %scan3A_15 = arith.constant 1 : i32
    scf.for %scan3A_27 = %scan3A_12 to %scan3A_14 step %scan3A_15  : i32 {
      %mul3A_28 = arith.constant 2 : i32
      %mul3A_29 = arith.muli %scan3A_27, %mul3A_28 : i32
      %add3A = arith.constant 0 : i32
      %add3A_30 = arith.addi %mul3A_29, %add3A : i32
      %mul3A_31 = arith.constant 80 : i32
      %mul3A_32 = arith.muli %add3A_30, %mul3A_31 : i32
      %dma_wait3A_33 = tpu.memref_slice %arg7[%mul3A_32] : memref<10000xi32, #tpu.memory_space<vmem>> -> memref<80xi32, #tpu.memory_space<vmem>>
      %dma_wait3A_34 = arith.constant 0 : i32
      %dma_wait3A_35 = arith.constant 0 : i32
      %dma_wait3A_36 = tpu.memref_slice %arg2[%dma_wait3A_34, %dma_wait3A_35] : memref<10000x128xf32, #tpu.memory_space<hbm>> -> memref<10000x128xf32, #tpu.memory_space<hbm>>
      tpu.wait_indirect_dma semaphore(%arg12 : memref<!tpu.dma_semaphore, #tpu.memory_space<semaphore_mem>>) src(%dma_wait3A_36 : memref<10000x128xf32, #tpu.memory_space<hbm>>) dst(%arg9 : memref<80x128xf32, #tpu.memory_space<vmem>>)
      %add3A_37 = arith.constant 0 : i32
      %add3A_38 = arith.addi %mul3A_29, %add3A_37 : i32
      %dma_start3A_39 = arith.constant 0 : i32
      %dma_start3A_40 = tpu.memref_slice %arg8[%add3A_38, %dma_start3A_39] : memref<125x80xi32, #tpu.memory_space<vmem>> -> memref<1x80xi32, #tpu.memory_space<vmem>>
      %dma_start3A_41 = tpu.memref_squeeze %dma_start3A_40 : memref<1x80xi32, #tpu.memory_space<vmem>> -> memref<80xi32, #tpu.memory_space<vmem>>
      %dma_start3A_42 = arith.constant 0 : i32
      %dma_start3A_43 = arith.constant 0 : i32
      %dma_start3A_44 = tpu.memref_slice %arg11[%dma_start3A_42, %dma_start3A_43] : memref<10000x128xf32, #tpu.memory_space<vmem_shared>> -> memref<10000x128xf32, #tpu.memory_space<vmem_shared>>
      tpu.enqueue_indirect_dma source(%arg9 : memref<80x128xf32, #tpu.memory_space<vmem>>) target(%dma_start3A_44 : memref<10000x128xf32, #tpu.memory_space<vmem_shared>>) offsets(%dma_start3A_41 : memref<80xi32, #tpu.memory_space<vmem>>) semaphore(%arg14 : memref<!tpu.dma_semaphore, #tpu.memory_space<semaphore_mem>>) {add = true}
      %add3A_45 = arith.constant 1 : i32
      %add3A_46 = arith.addi %mul3A_29, %add3A_45 : i32
      %mul3A_47 = arith.constant 80 : i32
      %mul3A_48 = arith.muli %add3A_46, %mul3A_47 : i32
      %dma_wait3A_49 = tpu.memref_slice %arg7[%mul3A_48] : memref<10000xi32, #tpu.memory_space<vmem>> -> memref<80xi32, #tpu.memory_space<vmem>>
      %dma_wait3A_50 = arith.constant 0 : i32
      %dma_wait3A_51 = arith.constant 0 : i32
      %dma_wait3A_52 = tpu.memref_slice %arg2[%dma_wait3A_50, %dma_wait3A_51] : memref<10000x128xf32, #tpu.memory_space<hbm>> -> memref<10000x128xf32, #tpu.memory_space<hbm>>
      tpu.wait_indirect_dma semaphore(%arg13 : memref<!tpu.dma_semaphore, #tpu.memory_space<semaphore_mem>>) src(%dma_wait3A_52 : memref<10000x128xf32, #tpu.memory_space<hbm>>) dst(%arg10 : memref<80x128xf32, #tpu.memory_space<vmem>>)
      %add3A_53 = arith.constant 1 : i32
      %add3A_54 = arith.addi %mul3A_29, %add3A_53 : i32
      %dma_start3A_55 = arith.constant 0 : i32
      %dma_start3A_56 = tpu.memref_slice %arg8[%add3A_54, %dma_start3A_55] : memref<125x80xi32, #tpu.memory_space<vmem>> -> memref<1x80xi32, #tpu.memory_space<vmem>>
      %dma_start3A_57 = tpu.memref_squeeze %dma_start3A_56 : memref<1x80xi32, #tpu.memory_space<vmem>> -> memref<80xi32, #tpu.memory_space<vmem>>
      %dma_start3A_58 = arith.constant 0 : i32
      %dma_start3A_59 = arith.constant 0 : i32
      %dma_start3A_60 = tpu.memref_slice %arg11[%dma_start3A_58, %dma_start3A_59] : memref<10000x128xf32, #tpu.memory_space<vmem_shared>> -> memref<10000x128xf32, #tpu.memory_space<vmem_shared>>
      tpu.enqueue_indirect_dma source(%arg10 : memref<80x128xf32, #tpu.memory_space<vmem>>) target(%dma_start3A_60 : memref<10000x128xf32, #tpu.memory_space<vmem_shared>>) offsets(%dma_start3A_57 : memref<80xi32, #tpu.memory_space<vmem>>) semaphore(%arg15 : memref<!tpu.dma_semaphore, #tpu.memory_space<semaphore_mem>>) {add = true}
      %add3A_61 = arith.constant 0 : i32
      %add3A_62 = arith.addi %mul3A_29, %add3A_61 : i32
      %dma_wait3A_63 = arith.constant 0 : i32
      %dma_wait3A_64 = tpu.memref_slice %arg8[%add3A_62, %dma_wait3A_63] : memref<125x80xi32, #tpu.memory_space<vmem>> -> memref<1x80xi32, #tpu.memory_space<vmem>>
      %dma_wait3A_65 = tpu.memref_squeeze %dma_wait3A_64 : memref<1x80xi32, #tpu.memory_space<vmem>> -> memref<80xi32, #tpu.memory_space<vmem>>
      %dma_wait3A_66 = arith.constant 0 : i32
      %dma_wait3A_67 = arith.constant 0 : i32
      %dma_wait3A_68 = tpu.memref_slice %arg11[%dma_wait3A_66, %dma_wait3A_67] : memref<10000x128xf32, #tpu.memory_space<vmem_shared>> -> memref<10000x128xf32, #tpu.memory_space<vmem_shared>>
      tpu.wait_indirect_dma semaphore(%arg14 : memref<!tpu.dma_semaphore, #tpu.memory_space<semaphore_mem>>) src(%arg9 : memref<80x128xf32, #tpu.memory_space<vmem>>) dst(%dma_wait3A_68 : memref<10000x128xf32, #tpu.memory_space<vmem_shared>>)
      %add3A_69 = arith.constant 2 : i32
      %add3A_70 = arith.addi %mul3A_29, %add3A_69 : i32
      %add3A_71 = arith.constant 0 : i32
      %add3A_72 = arith.addi %add3A_70, %add3A_71 : i32
      %lt3A = arith.constant 125 : i32
      %lt3A_73 = arith.cmpi slt, %add3A_72, %lt3A : i32
      %convert_element_type3A_74 = arith.extui %lt3A_73 : i1 to i32
      %cond3A_75 = arith.constant 0 : i32
      %cond3A_76 = arith.cmpi ne, %convert_element_type3A_74, %cond3A_75 : i32
      scf.if %cond3A_76 {
        %add3A_94 = arith.constant 2 : i32
        %add3A_95 = arith.addi %mul3A_29, %add3A_94 : i32
        %add3A_96 = arith.constant 0 : i32
        %add3A_97 = arith.addi %add3A_95, %add3A_96 : i32
        %mul3A_98 = arith.constant 80 : i32
        %mul3A_99 = arith.muli %add3A_97, %mul3A_98 : i32
        %dma_start3A_100 = tpu.memref_slice %arg7[%mul3A_99] : memref<10000xi32, #tpu.memory_space<vmem>> -> memref<80xi32, #tpu.memory_space<vmem>>
        %dma_start3A_101 = arith.constant 0 : i32
        %dma_start3A_102 = arith.constant 0 : i32
        %dma_start3A_103 = tpu.memref_slice %arg2[%dma_start3A_101, %dma_start3A_102] : memref<10000x128xf32, #tpu.memory_space<hbm>> -> memref<10000x128xf32, #tpu.memory_space<hbm>>
        tpu.enqueue_indirect_dma source(%dma_start3A_103 : memref<10000x128xf32, #tpu.memory_space<hbm>>) target(%arg9 : memref<80x128xf32, #tpu.memory_space<vmem>>) offsets(%dma_start3A_100 : memref<80xi32, #tpu.memory_space<vmem>>) semaphore(%arg12 : memref<!tpu.dma_semaphore, #tpu.memory_space<semaphore_mem>>)
      } else {
      }
      %add3A_77 = arith.constant 1 : i32
      %add3A_78 = arith.addi %mul3A_29, %add3A_77 : i32
      %dma_wait3A_79 = arith.constant 0 : i32
      %dma_wait3A_80 = tpu.memref_slice %arg8[%add3A_78, %dma_wait3A_79] : memref<125x80xi32, #tpu.memory_space<vmem>> -> memref<1x80xi32, #tpu.memory_space<vmem>>
      %dma_wait3A_81 = tpu.memref_squeeze %dma_wait3A_80 : memref<1x80xi32, #tpu.memory_space<vmem>> -> memref<80xi32, #tpu.memory_space<vmem>>
      %dma_wait3A_82 = arith.constant 0 : i32
      %dma_wait3A_83 = arith.constant 0 : i32
      %dma_wait3A_84 = tpu.memref_slice %arg11[%dma_wait3A_82, %dma_wait3A_83] : memref<10000x128xf32, #tpu.memory_space<vmem_shared>> -> memref<10000x128xf32, #tpu.memory_space<vmem_shared>>
      tpu.wait_indirect_dma semaphore(%arg15 : memref<!tpu.dma_semaphore, #tpu.memory_space<semaphore_mem>>) src(%arg10 : memref<80x128xf32, #tpu.memory_space<vmem>>) dst(%dma_wait3A_84 : memref<10000x128xf32, #tpu.memory_space<vmem_shared>>)
      %add3A_85 = arith.constant 2 : i32
      %add3A_86 = arith.addi %mul3A_29, %add3A_85 : i32
      %add3A_87 = arith.constant 1 : i32
      %add3A_88 = arith.addi %add3A_86, %add3A_87 : i32
      %lt3A_89 = arith.constant 125 : i32
      %lt3A_90 = arith.cmpi slt, %add3A_88, %lt3A_89 : i32
      %convert_element_type3A_91 = arith.extui %lt3A_90 : i1 to i32
      %cond3A_92 = arith.constant 0 : i32
      %cond3A_93 = arith.cmpi ne, %convert_element_type3A_91, %cond3A_92 : i32
      scf.if %cond3A_93 {
        %add3A_94 = arith.constant 2 : i32
        %add3A_95 = arith.addi %mul3A_29, %add3A_94 : i32
        %add3A_96 = arith.constant 1 : i32
        %add3A_97 = arith.addi %add3A_95, %add3A_96 : i32
        %mul3A_98 = arith.constant 80 : i32
        %mul3A_99 = arith.muli %add3A_97, %mul3A_98 : i32
        %dma_start3A_100 = tpu.memref_slice %arg7[%mul3A_99] : memref<10000xi32, #tpu.memory_space<vmem>> -> memref<80xi32, #tpu.memory_space<vmem>>
        %dma_start3A_101 = arith.constant 0 : i32
        %dma_start3A_102 = arith.constant 0 : i32
        %dma_start3A_103 = tpu.memref_slice %arg2[%dma_start3A_101, %dma_start3A_102] : memref<10000x128xf32, #tpu.memory_space<hbm>> -> memref<10000x128xf32, #tpu.memory_space<hbm>>
        tpu.enqueue_indirect_dma source(%dma_start3A_103 : memref<10000x128xf32, #tpu.memory_space<hbm>>) target(%arg10 : memref<80x128xf32, #tpu.memory_space<vmem>>) offsets(%dma_start3A_100 : memref<80xi32, #tpu.memory_space<vmem>>) semaphore(%arg13 : memref<!tpu.dma_semaphore, #tpu.memory_space<semaphore_mem>>)
      } else {
      }
    }
    %scan3A_16 = arith.constant 62 : i32
    %dma_wait3A = arith.constant 9920 : i32
    %dma_wait3A_17 = tpu.memref_slice %arg7[%dma_wait3A] : memref<10000xi32, #tpu.memory_space<vmem>> -> memref<80xi32, #tpu.memory_space<vmem>>
    %dma_wait3A_18 = arith.constant 0 : i32
    %dma_wait3A_19 = arith.constant 0 : i32
    %dma_wait3A_20 = tpu.memref_slice %arg2[%dma_wait3A_18, %dma_wait3A_19] : memref<10000x128xf32, #tpu.memory_space<hbm>> -> memref<10000x128xf32, #tpu.memory_space<hbm>>
    tpu.wait_indirect_dma semaphore(%arg12 : memref<!tpu.dma_semaphore, #tpu.memory_space<semaphore_mem>>) src(%dma_wait3A_20 : memref<10000x128xf32, #tpu.memory_space<hbm>>) dst(%arg9 : memref<80x128xf32, #tpu.memory_space<vmem>>)
    %run_scoped3A = arith.constant 124 : i32
    "tpu.region"() ({
      %run_scoped3A_27 = tpu.sem_alloc : memref<!tpu.dma_semaphore, #tpu.memory_space<semaphore_mem>>
      %dma_start3A_28 = arith.constant 0 : i32
      %dma_start3A_29 = tpu.memref_slice %arg8[%run_scoped3A, %dma_start3A_28] : memref<125x80xi32, #tpu.memory_space<vmem>> -> memref<1x80xi32, #tpu.memory_space<vmem>>
      %dma_start3A_30 = tpu.memref_squeeze %dma_start3A_29 : memref<1x80xi32, #tpu.memory_space<vmem>> -> memref<80xi32, #tpu.memory_space<vmem>>
      %dma_start3A_31 = arith.constant 0 : i32
      %dma_start3A_32 = arith.constant 0 : i32
      %dma_start3A_33 = tpu.memref_slice %arg11[%dma_start3A_31, %dma_start3A_32] : memref<10000x128xf32, #tpu.memory_space<vmem_shared>> -> memref<10000x128xf32, #tpu.memory_space<vmem_shared>>
      tpu.enqueue_indirect_dma source(%arg9 : memref<80x128xf32, #tpu.memory_space<vmem>>) target(%dma_start3A_33 : memref<10000x128xf32, #tpu.memory_space<vmem_shared>>) offsets(%dma_start3A_30 : memref<80xi32, #tpu.memory_space<vmem>>) semaphore(%run_scoped3A_27 : memref<!tpu.dma_semaphore, #tpu.memory_space<semaphore_mem>>) {add = true}
      %dma_wait3A_34 = arith.constant 0 : i32
      %dma_wait3A_35 = tpu.memref_slice %arg8[%run_scoped3A, %dma_wait3A_34] : memref<125x80xi32, #tpu.memory_space<vmem>> -> memref<1x80xi32, #tpu.memory_space<vmem>>
      %dma_wait3A_36 = tpu.memref_squeeze %dma_wait3A_35 : memref<1x80xi32, #tpu.memory_space<vmem>> -> memref<80xi32, #tpu.memory_space<vmem>>
      %dma_wait3A_37 = arith.constant 0 : i32
      %dma_wait3A_38 = arith.constant 0 : i32
      %dma_wait3A_39 = tpu.memref_slice %arg11[%dma_wait3A_37, %dma_wait3A_38] : memref<10000x128xf32, #tpu.memory_space<vmem_shared>> -> memref<10000x128xf32, #tpu.memory_space<vmem_shared>>
      tpu.wait_indirect_dma semaphore(%run_scoped3A_27 : memref<!tpu.dma_semaphore, #tpu.memory_space<semaphore_mem>>) src(%arg9 : memref<80x128xf32, #tpu.memory_space<vmem>>) dst(%dma_wait3A_39 : memref<10000x128xf32, #tpu.memory_space<vmem_shared>>)
      tpu.yield
    }) : () -> ()
    %barrier3A_21 = arith.constant 0 : index
    tpu.barrier barrier_id(%barrier3A_21)
    "tpu.region"() ({
      %run_scoped3A_27 = tpu.sem_alloc : memref<!tpu.dma_semaphore, #tpu.memory_space<semaphore_mem>>
      %dma_start3A_28 = arith.constant 0 : i32
      %dma_start3A_29 = tpu.memref_slice %arg6[%arg0, %mul3A_9, %dma_start3A_28] : memref<2x10000x128xf32, #tpu.memory_space<hbm>> -> memref<1x624x128xf32, #tpu.memory_space<hbm>>
      %dma_start3A_30 = tpu.memref_squeeze %dma_start3A_29 : memref<1x624x128xf32, #tpu.memory_space<hbm>> -> memref<624x128xf32, #tpu.memory_space<hbm>>
      %dma_start3A_31 = arith.constant 0 : i32
      %dma_start3A_32 = tpu.memref_slice %arg11[%mul3A_9, %dma_start3A_31] : memref<10000x128xf32, #tpu.memory_space<vmem_shared>> -> memref<624x128xf32, #tpu.memory_space<vmem_shared>>
      tpu.enqueue_dma source(%dma_start3A_32 : memref<624x128xf32, #tpu.memory_space<vmem_shared>>) target(%dma_start3A_30 : memref<624x128xf32, #tpu.memory_space<hbm>>) target_semaphore(%run_scoped3A_27 : memref<!tpu.dma_semaphore, #tpu.memory_space<semaphore_mem>>)
      %dma_wait3A_33 = arith.constant 0 : i32
      %dma_wait3A_34 = tpu.memref_slice %arg6[%arg0, %mul3A_9, %dma_wait3A_33] : memref<2x10000x128xf32, #tpu.memory_space<hbm>> -> memref<1x624x128xf32, #tpu.memory_space<hbm>>
      %dma_wait3A_35 = tpu.memref_squeeze %dma_wait3A_34 : memref<1x624x128xf32, #tpu.memory_space<hbm>> -> memref<624x128xf32, #tpu.memory_space<hbm>>
      %dma_wait3A_36 = arith.constant 0 : i32
      %dma_wait3A_37 = tpu.memref_slice %arg11[%mul3A_9, %dma_wait3A_36] : memref<10000x128xf32, #tpu.memory_space<vmem_shared>> -> memref<624x128xf32, #tpu.memory_space<vmem_shared>>
      tpu.wait_dma2 semaphore(%run_scoped3A_27 : memref<!tpu.dma_semaphore, #tpu.memory_space<semaphore_mem>>) src(%dma_wait3A_37 : memref<624x128xf32, #tpu.memory_space<vmem_shared>>) dst(%dma_wait3A_35 : memref<624x128xf32, #tpu.memory_space<hbm>>)
      tpu.yield
    }) : () -> ()
    %eq3A_22 = arith.constant 15 : i32
    %eq3A_23 = arith.cmpi eq, %arg1, %eq3A_22 : i32
    %convert_element_type3A_24 = arith.extui %eq3A_23 : i1 to i32
    %cond3A_25 = arith.constant 0 : i32
    %cond3A_26 = arith.cmpi ne, %convert_element_type3A_24, %cond3A_25 : i32
    scf.if %cond3A_26 {
      "tpu.region"() ({
        %run_scoped3A_27 = tpu.sem_alloc : memref<!tpu.dma_semaphore, #tpu.memory_space<semaphore_mem>>
        %dma_start3A_28 = arith.constant 9984 : i32
        %dma_start3A_29 = arith.constant 0 : i32
        %dma_start3A_30 = tpu.memref_slice %arg6[%arg0, %dma_start3A_28, %dma_start3A_29] : memref<2x10000x128xf32, #tpu.memory_space<hbm>> -> memref<1x16x128xf32, #tpu.memory_space<hbm>>
        %dma_start3A_31 = tpu.memref_squeeze %dma_start3A_30 : memref<1x16x128xf32, #tpu.memory_space<hbm>> -> memref<16x128xf32, #tpu.memory_space<hbm>>
        %dma_start3A_32 = arith.constant 9984 : i32
        %dma_start3A_33 = arith.constant 0 : i32
        %dma_start3A_34 = tpu.memref_slice %arg11[%dma_start3A_32, %dma_start3A_33] : memref<10000x128xf32, #tpu.memory_space<vmem_shared>> -> memref<16x128xf32, #tpu.memory_space<vmem_shared>>
        tpu.enqueue_dma source(%dma_start3A_34 : memref<16x128xf32, #tpu.memory_space<vmem_shared>>) target(%dma_start3A_31 : memref<16x128xf32, #tpu.memory_space<hbm>>) target_semaphore(%run_scoped3A_27 : memref<!tpu.dma_semaphore, #tpu.memory_space<semaphore_mem>>)
        %dma_wait3A_35 = arith.constant 9984 : i32
        %dma_wait3A_36 = arith.constant 0 : i32
        %dma_wait3A_37 = tpu.memref_slice %arg6[%arg0, %dma_wait3A_35, %dma_wait3A_36] : memref<2x10000x128xf32, #tpu.memory_space<hbm>> -> memref<1x16x128xf32, #tpu.memory_space<hbm>>
        %dma_wait3A_38 = tpu.memref_squeeze %dma_wait3A_37 : memref<1x16x128xf32, #tpu.memory_space<hbm>> -> memref<16x128xf32, #tpu.memory_space<hbm>>
        %dma_wait3A_39 = arith.constant 9984 : i32
        %dma_wait3A_40 = arith.constant 0 : i32
        %dma_wait3A_41 = tpu.memref_slice %arg11[%dma_wait3A_39, %dma_wait3A_40] : memref<10000x128xf32, #tpu.memory_space<vmem_shared>> -> memref<16x128xf32, #tpu.memory_space<vmem_shared>>
        tpu.wait_dma2 semaphore(%run_scoped3A_27 : memref<!tpu.dma_semaphore, #tpu.memory_space<semaphore_mem>>) src(%dma_wait3A_41 : memref<16x128xf32, #tpu.memory_space<vmem_shared>>) dst(%dma_wait3A_38 : memref<16x128xf32, #tpu.memory_space<hbm>>)
        tpu.yield
      }) : () -> ()
    } else {
    }
    return
  }
}

module attributes {stable_mosaic.version = 14 : i64} {
  func.func @_mlp_body(%arg0: i32, %arg1: memref<2000x128xf32, #tpu.memory_space<vmem>>, %arg2: memref<2x2000x128xf32, #tpu.memory_space<vmem>>, %arg3: memref<128x128xf32, #tpu.memory_space<vmem>>, %arg4: memref<1x128xf32, #tpu.memory_space<vmem>>, %arg5: memref<128x128xf32, #tpu.memory_space<vmem>>, %arg6: memref<1x128xf32, #tpu.memory_space<vmem>>, %arg7: memref<2000x128xf32, #tpu.memory_space<vmem>>, %arg8: memref<1x128xf32, #tpu.memory_space<vmem>>, %arg9: memref<1x128xf32, #tpu.memory_space<vmem>>) attributes {dimension_semantics = [#tpu.dimension_semantics<arbitrary>], iteration_bounds = array<i64: 5>, scalar_prefetch = 0 : i64, scratch_operands = 0 : i64, tpu.core_type = #tpu.core_type<tc>, window_params = [{transform_indices = @transform_0, window_bounds = array<i64: 2000, 128>}, {transform_indices = @transform_1, window_bounds = array<i64: 2, 2000, 128>}, {pipeline_mode = #tpu.pipeline_mode<synchronous>, transform_indices = @transform_2, window_bounds = array<i64: 128, 128>}, {pipeline_mode = #tpu.pipeline_mode<synchronous>, transform_indices = @transform_3, window_bounds = array<i64: 1, 128>}, {pipeline_mode = #tpu.pipeline_mode<synchronous>, transform_indices = @transform_4, window_bounds = array<i64: 128, 128>}, {pipeline_mode = #tpu.pipeline_mode<synchronous>, transform_indices = @transform_5, window_bounds = array<i64: 1, 128>}, {transform_indices = @transform_6, window_bounds = array<i64: 2000, 128>}, {pipeline_mode = #tpu.pipeline_mode<synchronous>, transform_indices = @transform_7, window_bounds = array<i64: 1, 128>}, {pipeline_mode = #tpu.pipeline_mode<synchronous>, transform_indices = @transform_8, window_bounds = array<i64: 1, 128>}]} {
    %get3A = arith.constant 0 : index
    %get3A_0 = arith.constant 0 : index
    %get3A_1 = vector.load %arg1[%get3A, %get3A_0] : memref<2000x128xf32, #tpu.memory_space<vmem>>, vector<2000x128xf32>
    %get3A_2 = arith.constant 0 : index
    %get3A_3 = arith.constant 0 : index
    %get3A_4 = arith.constant 0 : index
    %get3A_5 = vector.load %arg2[%get3A_2, %get3A_3, %get3A_4] : memref<2x2000x128xf32, #tpu.memory_space<vmem>>, vector<1x2000x128xf32>
    %get3A_6 = vector.shape_cast %get3A_5 : vector<1x2000x128xf32> to vector<2000x128xf32>
    %add3A = arith.addf %get3A_1, %get3A_6 : vector<2000x128xf32>
    %get3A_7 = arith.constant 1 : index
    %get3A_8 = arith.constant 0 : index
    %get3A_9 = arith.constant 0 : index
    %get3A_10 = vector.load %arg2[%get3A_7, %get3A_8, %get3A_9] : memref<2x2000x128xf32, #tpu.memory_space<vmem>>, vector<1x2000x128xf32>
    %get3A_11 = vector.shape_cast %get3A_10 : vector<1x2000x128xf32> to vector<2000x128xf32>
    %add3A_12 = arith.addf %add3A, %get3A_11 : vector<2000x128xf32>
    %get3A_13 = arith.constant 0 : index
    %get3A_14 = arith.constant 0 : index
    %get3A_15 = vector.load %arg3[%get3A_13, %get3A_14] : memref<128x128xf32, #tpu.memory_space<vmem>>, vector<128x128xf32>
    %dot_general3A = arith.constant dense<0.000000e+00> : vector<2000x128xf32>
    %dot_general3A_16 = tpu.matmul %add3A_12, %get3A_15, %dot_general3A {dimension_numbers = #tpu.dot_dimension_numbers<[1], [0], [0], [1], [0, 0, 1, 1], [], []>, transpose_lhs_hint = false} : vector<2000x128xf32>, vector<128x128xf32>, vector<2000x128xf32> -> vector<2000x128xf32>
    %get3A_17 = arith.constant 0 : index
    %get3A_18 = arith.constant 0 : index
    %get3A_19 = vector.load %arg4[%get3A_17, %get3A_18] : memref<1x128xf32, #tpu.memory_space<vmem>>, vector<1x128xf32>
    %add3A_20 = vector.broadcast %get3A_19 : vector<1x128xf32> to vector<2000x128xf32>
    %add3A_21 = arith.addf %dot_general3A_16, %add3A_20 : vector<2000x128xf32>
    %max3A = arith.constant 0.000000e+00 : f32
    %max3A_22 = vector.broadcast %max3A : f32 to vector<2000x128xf32>
    %max3A_23 = arith.maximumf %add3A_21, %max3A_22 : vector<2000x128xf32>
    %get3A_24 = arith.constant 0 : index
    %get3A_25 = arith.constant 0 : index
    %get3A_26 = vector.load %arg5[%get3A_24, %get3A_25] : memref<128x128xf32, #tpu.memory_space<vmem>>, vector<128x128xf32>
    %dot_general3A_27 = arith.constant dense<0.000000e+00> : vector<2000x128xf32>
    %dot_general3A_28 = tpu.matmul %max3A_23, %get3A_26, %dot_general3A_27 {dimension_numbers = #tpu.dot_dimension_numbers<[1], [0], [0], [1], [0, 0, 1, 1], [], []>, transpose_lhs_hint = false} : vector<2000x128xf32>, vector<128x128xf32>, vector<2000x128xf32> -> vector<2000x128xf32>
    %get3A_29 = arith.constant 0 : index
    %get3A_30 = arith.constant 0 : index
    %get3A_31 = vector.load %arg6[%get3A_29, %get3A_30] : memref<1x128xf32, #tpu.memory_space<vmem>>, vector<1x128xf32>
    %add3A_32 = vector.broadcast %get3A_31 : vector<1x128xf32> to vector<2000x128xf32>
    %add3A_33 = arith.addf %dot_general3A_28, %add3A_32 : vector<2000x128xf32>
    %max3A_34 = arith.constant 0.000000e+00 : f32
    %max3A_35 = vector.broadcast %max3A_34 : f32 to vector<2000x128xf32>
    %max3A_36 = arith.maximumf %add3A_33, %max3A_35 : vector<2000x128xf32>
    %swap3A = arith.constant 0 : index
    %swap3A_37 = arith.constant 0 : index
    %swap3A_38 = vector.load %arg7[%swap3A, %swap3A_37] : memref<2000x128xf32, #tpu.memory_space<vmem>>, vector<2000x128xf32>
    tpu.vector_store %arg7[%swap3A, %swap3A_37], %max3A_36 {strides = array<i32>} : memref<2000x128xf32, #tpu.memory_space<vmem>>, vector<2000x128xf32>,
    %eq3A = arith.constant 0 : i32
    %eq3A_39 = arith.cmpi eq, %arg0, %eq3A : i32
    %convert_element_type3A = arith.extui %eq3A_39 : i1 to i32
    %cond3A = arith.constant 0 : i32
    %cond3A_40 = arith.cmpi ne, %convert_element_type3A, %cond3A : i32
    scf.if %cond3A_40 {
      %broadcast_in_dim3A_59 = arith.constant 0.000000e+00 : f32
      %broadcast_in_dim3A_60 = vector.broadcast %broadcast_in_dim3A_59 : f32 to vector<1x128xf32>
      %swap3A_61 = arith.constant 0 : index
      %swap3A_62 = arith.constant 0 : index
      %swap3A_63 = vector.load %arg8[%swap3A_61, %swap3A_62] : memref<1x128xf32, #tpu.memory_space<vmem>>, vector<1x128xf32>
      tpu.vector_store %arg8[%swap3A_61, %swap3A_62], %broadcast_in_dim3A_60 {strides = array<i32>} : memref<1x128xf32, #tpu.memory_space<vmem>>, vector<1x128xf32>,
      %broadcast_in_dim3A_64 = arith.constant 0.000000e+00 : f32
      %broadcast_in_dim3A_65 = vector.broadcast %broadcast_in_dim3A_64 : f32 to vector<1x128xf32>
      %swap3A_66 = arith.constant 0 : index
      %swap3A_67 = arith.constant 0 : index
      %swap3A_68 = vector.load %arg9[%swap3A_66, %swap3A_67] : memref<1x128xf32, #tpu.memory_space<vmem>>, vector<1x128xf32>
      tpu.vector_store %arg9[%swap3A_66, %swap3A_67], %broadcast_in_dim3A_65 {strides = array<i32>} : memref<1x128xf32, #tpu.memory_space<vmem>>, vector<1x128xf32>,
    } else {
    }
    %get3A_41 = arith.constant 0 : index
    %get3A_42 = arith.constant 0 : index
    %get3A_43 = vector.load %arg8[%get3A_41, %get3A_42] : memref<1x128xf32, #tpu.memory_space<vmem>>, vector<1x128xf32>
    %reduce_sum3A = arith.constant dense<0.000000e+00> : vector<128xf32>
    %reduce_sum3A_44 = vector.multi_reduction <add>, %max3A_36, %reduce_sum3A [0] : vector<2000x128xf32> to vector<128xf32>
    %broadcast_in_dim3A = vector.shape_cast %reduce_sum3A_44 : vector<128xf32> to vector<1x128xf32>
    %add3A_45 = arith.addf %get3A_43, %broadcast_in_dim3A : vector<1x128xf32>
    %swap3A_46 = arith.constant 0 : index
    %swap3A_47 = arith.constant 0 : index
    %swap3A_48 = vector.load %arg8[%swap3A_46, %swap3A_47] : memref<1x128xf32, #tpu.memory_space<vmem>>, vector<1x128xf32>
    tpu.vector_store %arg8[%swap3A_46, %swap3A_47], %add3A_45 {strides = array<i32>} : memref<1x128xf32, #tpu.memory_space<vmem>>, vector<1x128xf32>,
    %get3A_49 = arith.constant 0 : index
    %get3A_50 = arith.constant 0 : index
    %get3A_51 = vector.load %arg9[%get3A_49, %get3A_50] : memref<1x128xf32, #tpu.memory_space<vmem>>, vector<1x128xf32>
    %mul3A = arith.mulf %max3A_36, %max3A_36 : vector<2000x128xf32>
    %reduce_sum3A_52 = arith.constant dense<0.000000e+00> : vector<128xf32>
    %reduce_sum3A_53 = vector.multi_reduction <add>, %mul3A, %reduce_sum3A_52 [0] : vector<2000x128xf32> to vector<128xf32>
    %broadcast_in_dim3A_54 = vector.shape_cast %reduce_sum3A_53 : vector<128xf32> to vector<1x128xf32>
    %add3A_55 = arith.addf %get3A_51, %broadcast_in_dim3A_54 : vector<1x128xf32>
    %swap3A_56 = arith.constant 0 : index
    %swap3A_57 = arith.constant 0 : index
    %swap3A_58 = vector.load %arg9[%swap3A_56, %swap3A_57] : memref<1x128xf32, #tpu.memory_space<vmem>>, vector<1x128xf32>
    tpu.vector_store %arg9[%swap3A_56, %swap3A_57], %add3A_55 {strides = array<i32>} : memref<1x128xf32, #tpu.memory_space<vmem>>, vector<1x128xf32>,
    return
  }
  func.func @transform_0(%arg0: i32) -> (i32, i32) {
    %c0_i32 = arith.constant 0 : i32
    %c0_i32_0 = arith.constant 0 : i32
    return %arg0, %c0_i32 : i32, i32
  }
  func.func @transform_1(%arg0: i32) -> (i32, i32, i32) {
    %c0_i32 = arith.constant 0 : i32
    %c0_i32_0 = arith.constant 0 : i32
    %c0_i32_1 = arith.constant 0 : i32
    return %c0_i32, %arg0, %c0_i32_0 : i32, i32, i32
  }
  func.func @transform_2(%arg0: i32) -> (i32, i32) {
    %c0_i32 = arith.constant 0 : i32
    %c0_i32_0 = arith.constant 0 : i32
    %c0_i32_1 = arith.constant 0 : i32
    return %c0_i32, %c0_i32_0 : i32, i32
  }
  func.func @transform_3(%arg0: i32) -> (i32, i32) {
    %c0_i32 = arith.constant 0 : i32
    %c0_i32_0 = arith.constant 0 : i32
    %c0_i32_1 = arith.constant 0 : i32
    return %c0_i32, %c0_i32_0 : i32, i32
  }
  func.func @transform_4(%arg0: i32) -> (i32, i32) {
    %c0_i32 = arith.constant 0 : i32
    %c0_i32_0 = arith.constant 0 : i32
    %c0_i32_1 = arith.constant 0 : i32
    return %c0_i32, %c0_i32_0 : i32, i32
  }
  func.func @transform_5(%arg0: i32) -> (i32, i32) {
    %c0_i32 = arith.constant 0 : i32
    %c0_i32_0 = arith.constant 0 : i32
    %c0_i32_1 = arith.constant 0 : i32
    return %c0_i32, %c0_i32_0 : i32, i32
  }
  func.func @transform_6(%arg0: i32) -> (i32, i32) {
    %c0_i32 = arith.constant 0 : i32
    %c0_i32_0 = arith.constant 0 : i32
    return %arg0, %c0_i32 : i32, i32
  }
  func.func @transform_7(%arg0: i32) -> (i32, i32) {
    %c0_i32 = arith.constant 0 : i32
    %c0_i32_0 = arith.constant 0 : i32
    %c0_i32_1 = arith.constant 0 : i32
    return %c0_i32, %c0_i32_0 : i32, i32
  }
  func.func @transform_8(%arg0: i32) -> (i32, i32) {
    %c0_i32 = arith.constant 0 : i32
    %c0_i32_0 = arith.constant 0 : i32
    %c0_i32_1 = arith.constant 0 : i32
    return %c0_i32, %c0_i32_0 : i32, i32
  }
}

module attributes {stable_mosaic.version = 14 : i64} {
  func.func @_bn_body(%arg0: i32, %arg1: memref<2000x128xf32, #tpu.memory_space<vmem>>, %arg2: memref<1x128xf32, #tpu.memory_space<vmem>>, %arg3: memref<1x128xf32, #tpu.memory_space<vmem>>, %arg4: memref<1x128xf32, #tpu.memory_space<vmem>>, %arg5: memref<1x128xf32, #tpu.memory_space<vmem>>, %arg6: memref<2000x128xf32, #tpu.memory_space<vmem>>) attributes {dimension_semantics = [#tpu.dimension_semantics<arbitrary>], iteration_bounds = array<i64: 5>, scalar_prefetch = 0 : i64, scratch_operands = 0 : i64, tpu.core_type = #tpu.core_type<tc>, window_params = [{transform_indices = @transform_0, window_bounds = array<i64: 2000, 128>}, {pipeline_mode = #tpu.pipeline_mode<synchronous>, transform_indices = @transform_1, window_bounds = array<i64: 1, 128>}, {pipeline_mode = #tpu.pipeline_mode<synchronous>, transform_indices = @transform_2, window_bounds = array<i64: 1, 128>}, {pipeline_mode = #tpu.pipeline_mode<synchronous>, transform_indices = @transform_3, window_bounds = array<i64: 1, 128>}, {pipeline_mode = #tpu.pipeline_mode<synchronous>, transform_indices = @transform_4, window_bounds = array<i64: 1, 128>}, {transform_indices = @transform_5, window_bounds = array<i64: 2000, 128>}]} {
    %get3A = arith.constant 0 : index
    %get3A_0 = arith.constant 0 : index
    %get3A_1 = vector.load %arg2[%get3A, %get3A_0] : memref<1x128xf32, #tpu.memory_space<vmem>>, vector<1x128xf32>
    %get3A_2 = arith.constant 0 : index
    %get3A_3 = arith.constant 0 : index
    %get3A_4 = vector.load %arg3[%get3A_2, %get3A_3] : memref<1x128xf32, #tpu.memory_space<vmem>>, vector<1x128xf32>
    %get3A_5 = arith.constant 0 : index
    %get3A_6 = arith.constant 0 : index
    %get3A_7 = vector.load %arg4[%get3A_5, %get3A_6] : memref<1x128xf32, #tpu.memory_space<vmem>>, vector<1x128xf32>
    %get3A_8 = arith.constant 0 : index
    %get3A_9 = arith.constant 0 : index
    %get3A_10 = vector.load %arg5[%get3A_8, %get3A_9] : memref<1x128xf32, #tpu.memory_space<vmem>>, vector<1x128xf32>
    %div3A = arith.constant 1.000000e+04 : f32
    %div3A_11 = vector.broadcast %div3A : f32 to vector<1x128xf32>
    %div3A_12 = arith.divf %get3A_1, %div3A_11 : vector<1x128xf32>
    %div3A_13 = arith.constant 1.000000e+04 : f32
    %div3A_14 = vector.broadcast %div3A_13 : f32 to vector<1x128xf32>
    %div3A_15 = arith.divf %get3A_4, %div3A_14 : vector<1x128xf32>
    %mul3A = arith.mulf %div3A_12, %div3A_12 : vector<1x128xf32>
    %sub3A = arith.subf %div3A_15, %mul3A : vector<1x128xf32>
    %add3A = arith.constant 9.99999974E-6 : f32
    %add3A_16 = vector.broadcast %add3A : f32 to vector<1x128xf32>
    %add3A_17 = arith.addf %sub3A, %add3A_16 : vector<1x128xf32>
    %sqrt3A = math.sqrt %add3A_17 : vector<1x128xf32>
    %div3A_18 = arith.divf %get3A_7, %sqrt3A : vector<1x128xf32>
    %mul3A_19 = arith.mulf %div3A_12, %div3A_18 : vector<1x128xf32>
    %sub3A_20 = arith.subf %get3A_10, %mul3A_19 : vector<1x128xf32>
    %get3A_21 = arith.constant 0 : index
    %get3A_22 = arith.constant 0 : index
    %get3A_23 = vector.load %arg1[%get3A_21, %get3A_22] : memref<2000x128xf32, #tpu.memory_space<vmem>>, vector<2000x128xf32>
    %mul3A_24 = vector.broadcast %div3A_18 : vector<1x128xf32> to vector<2000x128xf32>
    %mul3A_25 = arith.mulf %get3A_23, %mul3A_24 : vector<2000x128xf32>
    %add3A_26 = vector.broadcast %sub3A_20 : vector<1x128xf32> to vector<2000x128xf32>
    %add3A_27 = arith.addf %mul3A_25, %add3A_26 : vector<2000x128xf32>
    %swap3A = arith.constant 0 : index
    %swap3A_28 = arith.constant 0 : index
    %swap3A_29 = vector.load %arg6[%swap3A, %swap3A_28] : memref<2000x128xf32, #tpu.memory_space<vmem>>, vector<2000x128xf32>
    tpu.vector_store %arg6[%swap3A, %swap3A_28], %add3A_27 {strides = array<i32>} : memref<2000x128xf32, #tpu.memory_space<vmem>>, vector<2000x128xf32>,
    return
  }
  func.func @transform_0(%arg0: i32) -> (i32, i32) {
    %c0_i32 = arith.constant 0 : i32
    %c0_i32_0 = arith.constant 0 : i32
    return %arg0, %c0_i32 : i32, i32
  }
  func.func @transform_1(%arg0: i32) -> (i32, i32) {
    %c0_i32 = arith.constant 0 : i32
    %c0_i32_0 = arith.constant 0 : i32
    %c0_i32_1 = arith.constant 0 : i32
    return %c0_i32, %c0_i32_0 : i32, i32
  }
  func.func @transform_2(%arg0: i32) -> (i32, i32) {
    %c0_i32 = arith.constant 0 : i32
    %c0_i32_0 = arith.constant 0 : i32
    %c0_i32_1 = arith.constant 0 : i32
    return %c0_i32, %c0_i32_0 : i32, i32
  }
  func.func @transform_3(%arg0: i32) -> (i32, i32) {
    %c0_i32 = arith.constant 0 : i32
    %c0_i32_0 = arith.constant 0 : i32
    %c0_i32_1 = arith.constant 0 : i32
    return %c0_i32, %c0_i32_0 : i32, i32
  }
  func.func @transform_4(%arg0: i32) -> (i32, i32) {
    %c0_i32 = arith.constant 0 : i32
    %c0_i32_0 = arith.constant 0 : i32
    %c0_i32_1 = arith.constant 0 : i32
    return %c0_i32, %c0_i32_0 : i32, i32
  }
  func.func @transform_5(%arg0: i32) -> (i32, i32) {
    %c0_i32 = arith.constant 0 : i32
    %c0_i32_0 = arith.constant 0 : i32
    return %arg0, %c0_i32 : i32, i32
  }
}

module attributes {stable_mosaic.version = 14 : i64} {
  func.func @_bn_pool_body(%arg0: i32, %arg1: memref<2000x128xf32, #tpu.memory_space<vmem>>, %arg2: memref<1x128xf32, #tpu.memory_space<vmem>>, %arg3: memref<1x128xf32, #tpu.memory_space<vmem>>, %arg4: memref<1x128xf32, #tpu.memory_space<vmem>>, %arg5: memref<1x128xf32, #tpu.memory_space<vmem>>, %arg6: memref<1x1x2000xi32, #tpu.memory_space<vmem>>, %arg7: memref<64x128xf32, #tpu.memory_space<vmem>>, %arg8: memref<64x128xf32, #tpu.memory_space<vmem>>, %arg9: memref<64x1xf32, #tpu.memory_space<vmem>>) attributes {dimension_semantics = [#tpu.dimension_semantics<arbitrary>], iteration_bounds = array<i64: 5>, scalar_prefetch = 0 : i64, scratch_operands = 2 : i64, tpu.core_type = #tpu.core_type<tc>, window_params = [{transform_indices = @transform_0, window_bounds = array<i64: 2000, 128>}, {pipeline_mode = #tpu.pipeline_mode<synchronous>, transform_indices = @transform_1, window_bounds = array<i64: 1, 128>}, {pipeline_mode = #tpu.pipeline_mode<synchronous>, transform_indices = @transform_2, window_bounds = array<i64: 1, 128>}, {pipeline_mode = #tpu.pipeline_mode<synchronous>, transform_indices = @transform_3, window_bounds = array<i64: 1, 128>}, {pipeline_mode = #tpu.pipeline_mode<synchronous>, transform_indices = @transform_4, window_bounds = array<i64: 1, 128>}, {transform_indices = @transform_5, window_bounds = array<i64: 1, 1, 2000>}, {pipeline_mode = #tpu.pipeline_mode<synchronous>, transform_indices = @transform_6, window_bounds = array<i64: 64, 128>}]} {
    %eq3A = arith.constant 0 : i32
    %eq3A_0 = arith.cmpi eq, %arg0, %eq3A : i32
    %convert_element_type3A = arith.extui %eq3A_0 : i1 to i32
    %cond3A = arith.constant 0 : i32
    %cond3A_1 = arith.cmpi ne, %convert_element_type3A, %cond3A : i32
    scf.if %cond3A_1 {
      %broadcast_in_dim3A_62 = arith.constant 0.000000e+00 : f32
      %broadcast_in_dim3A_63 = vector.broadcast %broadcast_in_dim3A_62 : f32 to vector<64x128xf32>
      %swap3A_64 = arith.constant 0 : index
      %swap3A_65 = arith.constant 0 : index
      %swap3A_66 = vector.load %arg8[%swap3A_64, %swap3A_65] : memref<64x128xf32, #tpu.memory_space<vmem>>, vector<64x128xf32>
      tpu.vector_store %arg8[%swap3A_64, %swap3A_65], %broadcast_in_dim3A_63 {strides = array<i32>} : memref<64x128xf32, #tpu.memory_space<vmem>>, vector<64x128xf32>,
      %broadcast_in_dim3A_67 = arith.constant 0.000000e+00 : f32
      %broadcast_in_dim3A_68 = vector.broadcast %broadcast_in_dim3A_67 : f32 to vector<64x1xf32>
      %swap3A_69 = arith.constant 0 : index
      %swap3A_70 = arith.constant 0 : index
      %swap3A_71 = vector.load %arg9[%swap3A_69, %swap3A_70] : memref<64x1xf32, #tpu.memory_space<vmem>>, vector<64x1xf32>
      tpu.vector_store %arg9[%swap3A_69, %swap3A_70], %broadcast_in_dim3A_68 {strides = array<i32>} : memref<64x1xf32, #tpu.memory_space<vmem>>, vector<64x1xf32>,
    } else {
    }
    %get3A = arith.constant 0 : index
    %get3A_2 = arith.constant 0 : index
    %get3A_3 = vector.load %arg2[%get3A, %get3A_2] : memref<1x128xf32, #tpu.memory_space<vmem>>, vector<1x128xf32>
    %get3A_4 = arith.constant 0 : index
    %get3A_5 = arith.constant 0 : index
    %get3A_6 = vector.load %arg3[%get3A_4, %get3A_5] : memref<1x128xf32, #tpu.memory_space<vmem>>, vector<1x128xf32>
    %get3A_7 = arith.constant 0 : index
    %get3A_8 = arith.constant 0 : index
    %get3A_9 = vector.load %arg4[%get3A_7, %get3A_8] : memref<1x128xf32, #tpu.memory_space<vmem>>, vector<1x128xf32>
    %get3A_10 = arith.constant 0 : index
    %get3A_11 = arith.constant 0 : index
    %get3A_12 = vector.load %arg5[%get3A_10, %get3A_11] : memref<1x128xf32, #tpu.memory_space<vmem>>, vector<1x128xf32>
    %div3A = arith.constant 1.000000e+04 : f32
    %div3A_13 = vector.broadcast %div3A : f32 to vector<1x128xf32>
    %div3A_14 = arith.divf %get3A_3, %div3A_13 : vector<1x128xf32>
    %div3A_15 = arith.constant 1.000000e+04 : f32
    %div3A_16 = vector.broadcast %div3A_15 : f32 to vector<1x128xf32>
    %div3A_17 = arith.divf %get3A_6, %div3A_16 : vector<1x128xf32>
    %mul3A = arith.mulf %div3A_14, %div3A_14 : vector<1x128xf32>
    %sub3A = arith.subf %div3A_17, %mul3A : vector<1x128xf32>
    %add3A = arith.constant 9.99999974E-6 : f32
    %add3A_18 = vector.broadcast %add3A : f32 to vector<1x128xf32>
    %add3A_19 = arith.addf %sub3A, %add3A_18 : vector<1x128xf32>
    %sqrt3A = math.sqrt %add3A_19 : vector<1x128xf32>
    %div3A_20 = arith.divf %get3A_9, %sqrt3A : vector<1x128xf32>
    %mul3A_21 = arith.mulf %div3A_14, %div3A_20 : vector<1x128xf32>
    %sub3A_22 = arith.subf %get3A_12, %mul3A_21 : vector<1x128xf32>
    %get3A_23 = arith.constant 0 : index
    %get3A_24 = arith.constant 0 : index
    %get3A_25 = vector.load %arg1[%get3A_23, %get3A_24] : memref<2000x128xf32, #tpu.memory_space<vmem>>, vector<2000x128xf32>
    %mul3A_26 = vector.broadcast %div3A_20 : vector<1x128xf32> to vector<2000x128xf32>
    %mul3A_27 = arith.mulf %get3A_25, %mul3A_26 : vector<2000x128xf32>
    %add3A_28 = vector.broadcast %sub3A_22 : vector<1x128xf32> to vector<2000x128xf32>
    %add3A_29 = arith.addf %mul3A_27, %add3A_28 : vector<2000x128xf32>
    %get3A_30 = arith.constant 0 : index
    %get3A_31 = arith.constant 0 : index
    %get3A_32 = arith.constant 0 : index
    %get3A_33 = vector.load %arg6[%get3A_30, %get3A_31, %get3A_32] : memref<1x1x2000xi32, #tpu.memory_space<vmem>>, vector<1x1x2000xi32>
    %get3A_34 = vector.shape_cast %get3A_33 : vector<1x1x2000xi32> to vector<2000xi32>
    %broadcast_in_dim3A = vector.shape_cast %get3A_34 : vector<2000xi32> to vector<2000x1xi32>
    %iota3A = tpu.iota {dimensions = array<i32: 1>} : vector<2000x64xi32>
    %eq3A_35 = vector.broadcast %broadcast_in_dim3A : vector<2000x1xi32> to vector<2000x64xi32>
    %eq3A_36 = arith.cmpi eq, %eq3A_35, %iota3A : vector<2000x64xi32>
    %convert_element_type3A_37 = arith.extui %eq3A_36 : vector<2000x64xi1> to vector<2000x64xi32>
    %convert_element_type3A_38 = arith.sitofp %convert_element_type3A_37 : vector<2000x64xi32> to vector<2000x64xf32>
    %get3A_39 = arith.constant 0 : index
    %get3A_40 = arith.constant 0 : index
    %get3A_41 = vector.load %arg8[%get3A_39, %get3A_40] : memref<64x128xf32, #tpu.memory_space<vmem>>, vector<64x128xf32>
    %dot_general3A = arith.constant dense<0.000000e+00> : vector<64x128xf32>
    %dot_general3A_42 = tpu.matmul %convert_element_type3A_38, %add3A_29, %dot_general3A {dimension_numbers = #tpu.dot_dimension_numbers<[0], [0], [1], [1], [0, 1, 1, 1], [], []>, transpose_lhs_hint = false} : vector<2000x64xf32>, vector<2000x128xf32>, vector<64x128xf32> -> vector<64x128xf32>
    %add3A_43 = arith.addf %get3A_41, %dot_general3A_42 : vector<64x128xf32>
    %swap3A = arith.constant 0 : index
    %swap3A_44 = arith.constant 0 : index
    %swap3A_45 = vector.load %arg8[%swap3A, %swap3A_44] : memref<64x128xf32, #tpu.memory_space<vmem>>, vector<64x128xf32>
    tpu.vector_store %arg8[%swap3A, %swap3A_44], %add3A_43 {strides = array<i32>} : memref<64x128xf32, #tpu.memory_space<vmem>>, vector<64x128xf32>,
    %get3A_46 = arith.constant 0 : index
    %get3A_47 = arith.constant 0 : index
    %get3A_48 = vector.load %arg9[%get3A_46, %get3A_47] : memref<64x1xf32, #tpu.memory_space<vmem>>, vector<64x1xf32>
    %broadcast_in_dim3A_49 = arith.constant 1.000000e+00 : f32
    %broadcast_in_dim3A_50 = vector.broadcast %broadcast_in_dim3A_49 : f32 to vector<2000x1xf32>
    %dot_general3A_51 = arith.constant dense<0.000000e+00> : vector<64x1xf32>
    %dot_general3A_52 = tpu.matmul %convert_element_type3A_38, %broadcast_in_dim3A_50, %dot_general3A_51 {dimension_numbers = #tpu.dot_dimension_numbers<[0], [0], [1], [1], [0, 1, 1, 1], [], []>, transpose_lhs_hint = false} : vector<2000x64xf32>, vector<2000x1xf32>, vector<64x1xf32> -> vector<64x1xf32>
    %add3A_53 = arith.addf %get3A_48, %dot_general3A_52 : vector<64x1xf32>
    %swap3A_54 = arith.constant 0 : index
    %swap3A_55 = arith.constant 0 : index
    %swap3A_56 = vector.load %arg9[%swap3A_54, %swap3A_55] : memref<64x1xf32, #tpu.memory_space<vmem>>, vector<64x1xf32>
    tpu.vector_store %arg9[%swap3A_54, %swap3A_55], %add3A_53 {strides = array<i32>} : memref<64x1xf32, #tpu.memory_space<vmem>>, vector<64x1xf32>,
    %eq3A_57 = arith.constant 4 : i32
    %eq3A_58 = arith.cmpi eq, %arg0, %eq3A_57 : i32
    %convert_element_type3A_59 = arith.extui %eq3A_58 : i1 to i32
    %cond3A_60 = arith.constant 0 : i32
    %cond3A_61 = arith.cmpi ne, %convert_element_type3A_59, %cond3A_60 : i32
    scf.if %cond3A_61 {
      %get3A_62 = arith.constant 0 : index
      %get3A_63 = arith.constant 0 : index
      %get3A_64 = vector.load %arg8[%get3A_62, %get3A_63] : memref<64x128xf32, #tpu.memory_space<vmem>>, vector<64x128xf32>
      %get3A_65 = arith.constant 0 : index
      %get3A_66 = arith.constant 0 : index
      %get3A_67 = vector.load %arg9[%get3A_65, %get3A_66] : memref<64x1xf32, #tpu.memory_space<vmem>>, vector<64x1xf32>
      %max3A = arith.constant 1.000000e+00 : f32
      %max3A_68 = vector.broadcast %max3A : f32 to vector<64x1xf32>
      %max3A_69 = arith.maximumf %get3A_67, %max3A_68 : vector<64x1xf32>
      %div3A_70 = vector.broadcast %max3A_69 : vector<64x1xf32> to vector<64x128xf32>
      %div3A_71 = arith.divf %get3A_64, %div3A_70 : vector<64x128xf32>
      %swap3A_72 = arith.constant 0 : index
      %swap3A_73 = arith.constant 0 : index
      %swap3A_74 = vector.load %arg7[%swap3A_72, %swap3A_73] : memref<64x128xf32, #tpu.memory_space<vmem>>, vector<64x128xf32>
      tpu.vector_store %arg7[%swap3A_72, %swap3A_73], %div3A_71 {strides = array<i32>} : memref<64x128xf32, #tpu.memory_space<vmem>>, vector<64x128xf32>,
    } else {
    }
    return
  }
  func.func @transform_0(%arg0: i32) -> (i32, i32) {
    %c0_i32 = arith.constant 0 : i32
    %c0_i32_0 = arith.constant 0 : i32
    return %arg0, %c0_i32 : i32, i32
  }
  func.func @transform_1(%arg0: i32) -> (i32, i32) {
    %c0_i32 = arith.constant 0 : i32
    %c0_i32_0 = arith.constant 0 : i32
    %c0_i32_1 = arith.constant 0 : i32
    return %c0_i32, %c0_i32_0 : i32, i32
  }
  func.func @transform_2(%arg0: i32) -> (i32, i32) {
    %c0_i32 = arith.constant 0 : i32
    %c0_i32_0 = arith.constant 0 : i32
    %c0_i32_1 = arith.constant 0 : i32
    return %c0_i32, %c0_i32_0 : i32, i32
  }
  func.func @transform_3(%arg0: i32) -> (i32, i32) {
    %c0_i32 = arith.constant 0 : i32
    %c0_i32_0 = arith.constant 0 : i32
    %c0_i32_1 = arith.constant 0 : i32
    return %c0_i32, %c0_i32_0 : i32, i32
  }
  func.func @transform_4(%arg0: i32) -> (i32, i32) {
    %c0_i32 = arith.constant 0 : i32
    %c0_i32_0 = arith.constant 0 : i32
    %c0_i32_1 = arith.constant 0 : i32
    return %c0_i32, %c0_i32_0 : i32, i32
  }
  func.func @transform_5(%arg0: i32) -> (i32, i32, i32) {
    %c0_i32 = arith.constant 0 : i32
    %c0_i32_0 = arith.constant 0 : i32
    %c0_i32_1 = arith.constant 0 : i32
    return %arg0, %c0_i32, %c0_i32_0 : i32, i32, i32
  }
  func.func @transform_6(%arg0: i32) -> (i32, i32) {
    %c0_i32 = arith.constant 0 : i32
    %c0_i32_0 = arith.constant 0 : i32
    %c0_i32_1 = arith.constant 0 : i32
    return %c0_i32, %c0_i32_0 : i32, i32
  }
}

</mosaic_0001>

<sc_bundles>
// kernel: kernel.11.cloned.1.call-start
scs
__scs_entry_jumppad:
0x0: {  	(pc) =	sbr.rel $0x88, $3  }
0x1: {  	(tag) =	ssettag $0x0;
	lr =	simm.s32 $0x1  }
0x2: {  	[smem:$0x3F8C] =	sst lr;
	_ =	strace $0xD0000000  }
0x3: {  	_ = 	snop  }
0x4: {  	_ = 	snop  }
0x5: {  	_ = 	snop  }
0x6: {  	_ = 	snop  }
0x7: {  	_ = 	snop  }
__scs_overlays_trampoline_lowered:
0x8: {  	[smem:$0x3F9B] =	sst s0  }
0x9: {  	[smem:$0x3F9C] =	sst s1  }
0xa: {  	[smem:$0x3F9D] =	sst s2  }
0xb: {  	[smem:$0x3F9E] =	sst s3  }
0xc: {  	[smem:$0x3F9F] =	sst s4  }
0xd: {  	[smem:$0x3FA0] =	sst s5  }
0xe: {  	[smem:$0x3FA1] =	sst s6  }
0xf: {  	[smem:$0x3FA2] =	sst s7  }
0x10: {  	[smem:$0x3FA3] =	sst s8  }
0x11: {  	[smem:$0x3FA4] =	sst s9;
	s0 =	simm.s32 @!p0 $0x0  }
0x12: {  	s1 =	sld [smem:$0x3F8A];
	s0 =	simm.s32 @p0 $0x1  }
0x13: {  	[smem:$0x3FA5] =	sst s0;
	s0 =	simm.s32 @!p1 $0x0  }
0x14: {  	s2 =	sld [smem:$0x3F89];
	s0 =	simm.s32 @p1 $0x1  }
0x15: {  	[smem:$0x3FA6] =	sst s0;
	s0 =	simm.s32 @!p2 $0x0  }
0x16: {  	s3 =	sld [smem:$0x3FDB];
	s0 =	simm.s32 @p2 $0x1  }
0x17: {  	s4 =	simm.s32 $0x1BF5;
	[smem:$0x3FA8] =	sst s0  }
0x18: {  	s0 =	sld [smem:$0x3F8B];
	_ =	swait.ge [sflag:s4], $0x0  }
0x19: {  	s7 =	sld [smem:$0x3F8C]  }
0x1a: {  	s8 =	sadd.s32 $0xFFFFE003, lr  }
0x1b: {  	s9 =	sadd.s32 $0xFFFFFEF7, lr;
	s5 =	simm.s32 $0xFFFFFFFF;
	p2 =	slt.u32 s8, $0xFFFFF086  }
0x1c: {  	p1 =	slt.u32 s9, $0xF7A;
	s5 =	simm.s32 @!p2 $0x0  }
0x1d: {  	s5 =	simm.s32 @p1 $0x1;
	p0 =	seq.s32 s7, s2  }
0x1e: {  	s7 =	smul.u32 @!p0 $0xF7A, s2;
	p2 =	seq.s32 @!p0 s5, $0x0  }
0x1f: {  	s9 =	smul.u32 $0xF7A, s1;
	s8 =	simm.s32 @!p0 $0x1BF5;
	p2 =	por !p2, p0  }
0x20: {  	[sflag:s8] =	ssyncset.s32 @!p0 $0xFFFFF086;
	s6 =	sadd.s32 @!p0 s3, s7;
	s7 =	simm.s32 @!p0 $0x108  }
0x21: {  	s3 =	sadd.s32 s3, s9;
	s6 =	sadd.s32 @!p0 $0x88, s6;
	s7 =	simm.s32 @p2 $0x1082  }
0x22: {  	[simem:s7], [sflag:s8] =	dma.local @!p0 [hbm:s6], $0xF7A  }
0x23: {  	s9 =	sor.u32 $0xD0000000, s2;
	s6 =	simm.s32 $0x108;
	_ =	swait.ge @!p0 [sflag:s8], $0x0  }
0x24: {  	s3 =	sadd.s32 $0x88, s3;
	s6 =	simm.s32 @!p1 $0x1082;
	[sflag:s4] =	ssyncset.s32 $0xFFFFF086  }
0x25: {  	[simem:s6], [sflag:s4] =	dma.local [hbm:s3], $0xF7A  }
0x26: {  	[smem:$0x3F8C] =	sst s1;
	(tag) =	ssettag s2;
	_ =	strace s9  }
0x27: {  	s1 =	sld [smem:$0x3F9C]  }
0x28: {  	s2 =	sld [smem:$0x3F9D]  }
0x29: {  	s4 =	sld [smem:$0x3F9F]  }
0x2a: {  	p0 =	seq.s32 s5, $0x0;
	s5 =	sld [smem:$0x3FA0]  }
0x2b: {  	s6 =	sld [smem:$0x3FA1]  }
0x2c: {  	s7 =	sld [smem:$0x3FA2]  }
0x2d: {  	s3 =	simm.s32 $0x108;
	s8 =	sld [smem:$0x3FA3]  }
0x2e: {  	s3 =	simm.s32 @!p0 $0x1082;
	s9 =	sld [smem:$0x3FA4]  }
0x2f: {  	lr =	sadd.s32 s0, s3;
	s0 =	sld [smem:$0x3F9B]  }
0x30: {  	s3 =	sld [smem:$0x3F9E]  }
0x31: {  	[smem:$0x3FA7] =	sst s10  }
0x32: {  	s10 =	sld [smem:$0x3FA5];
	_ =	sdelay $0x3  }
0x33: {  	p0 =	seq.s32 s10, $0x1;
	s10 =	sld [smem:$0x3FA7];
	_ =	sdelay $0x3  }
0x34: {  	[smem:$0x3FA7] =	sst s10  }
0x35: {  	s10 =	sld [smem:$0x3FA6];
	_ =	sdelay $0x3  }
0x36: {  	p1 =	seq.s32 s10, $0x1;
	s10 =	sld [smem:$0x3FA7];
	_ =	sdelay $0x3  }
0x37: {  	[smem:$0x3FA7] =	sst s10  }
0x38: {  	s10 =	sld [smem:$0x3FA8]  }
0x39: {  	_ = 	snop;
	(pc) =	sbr.ind lr, $3  }
0x3a: {  	_ = 	snop  }
0x3b: {  	_ = 	snop  }
0x3c: {  	p2 =	seq.s32 s10, $0x1;
	s10 =	sld [smem:$0x3FA7]  }
0x3d: {  	_ =	shalt  }
0x3e: {  	_ =	shalt  }
0x3f: {  	_ =	shalt  }
0x40: {  	_ =	shalt  }
0x41: {  	_ =	shalt  }
0x42: {  	_ =	shalt  }
0x43: {  	_ =	shalt  }
0x44: {  	_ =	shalt  }
0x45: {  	_ =	shalt  }
0x46: {  	_ =	shalt  }
0x47: {  	_ =	shalt  }
0x48: {  	_ =	shalt  }
0x49: {  	_ =	shalt  }
0x4a: {  	_ =	shalt  }
0x4b: {  	_ =	shalt  }
0x4c: {  	_ =	shalt  }
0x4d: {  	_ =	shalt  }
0x4e: {  	_ =	shalt  }
0x4f: {  	_ =	shalt  }
0x50: {  	_ =	shalt  }
0x51: {  	_ =	shalt  }
0x52: {  	_ =	shalt  }
0x53: {  	_ =	shalt  }
0x54: {  	_ =	shalt  }
0x55: {  	_ =	shalt  }
0x56: {  	_ =	shalt  }
0x57: {  	_ =	shalt  }
0x58: {  	_ =	shalt  }
0x59: {  	_ =	shalt  }
0x5a: {  	_ =	shalt  }
0x5b: {  	_ =	shalt  }
0x5c: {  	_ =	shalt  }
0x5d: {  	_ =	shalt  }
0x5e: {  	_ =	shalt  }
0x5f: {  	_ =	shalt  }
0x60: {  	_ =	shalt  }
0x61: {  	_ =	shalt  }
0x62: {  	_ =	shalt  }
0x63: {  	_ =	shalt  }
0x64: {  	_ =	shalt  }
0x65: {  	_ =	shalt  }
0x66: {  	_ =	shalt  }
0x67: {  	_ =	shalt  }
0x68: {  	_ =	shalt  }
0x69: {  	_ =	shalt  }
0x6a: {  	_ =	shalt  }
0x6b: {  	_ =	shalt  }
0x6c: {  	_ =	shalt  }
0x6d: {  	_ =	shalt  }
0x6e: {  	_ =	shalt  }
0x6f: {  	_ =	shalt  }
0x70: {  	_ =	shalt  }
0x71: {  	_ =	shalt  }
0x72: {  	_ =	shalt  }
0x73: {  	_ =	shalt  }
0x74: {  	_ =	shalt  }
0x75: {  	_ =	shalt  }
0x76: {  	_ =	shalt  }
0x77: {  	_ =	shalt  }
0x78: {  	_ =	shalt  }
0x79: {  	_ =	shalt  }
0x7a: {  	_ =	shalt  }
0x7b: {  	_ =	shalt  }
0x7c: {  	_ =	shalt  }
0x7d: {  	_ =	shalt  }
0x7e: {  	_ =	shalt  }
0x7f: {  	_ =	shalt  }
0x80: {  	_ =	shalt  }
0x81: {  	_ =	shalt  }
0x82: {  	_ =	shalt  }
0x83: {  	_ =	shalt  }
0x84: {  	_ =	shalt  }
0x85: {  	_ =	shalt  }
0x86: {  	_ =	shalt  }
0x87: {  	_ =	shalt  }
.Lfunc_end0:
.L_simem_size_0:
called_computation_lowered:
.L_overlay_start_0:
0x88: {  	s2 =	sld [smem:$0x3FD9]  }
0x89: {  	s3 =	sld [smem:$0x3FFE];
	_ =	sdelay $0x1  }
0x8a: {  	s1 =	srdreg.scid  }
0x8b: {  	s0 =	sand.u32 $0x1, s1  }
0x8c: {  	s17 =	sshll.u32 s0, $0xA;
	s2 =	sadd.s32 s3, s2  }
0x8d: {  	s2 =	sadd.s32 s2, s17  }
0x8e: {  	[smem:$0x3FB3] =	sst s2  }
0x8f: {  	_ = 	snop  }
0x90: {  	s2 =	sld [smem:$0x3FC9];
	(tm) =	ssettm $0x1  }
0x91: {  	s18 =	sld [smem:$0x3FFB];
	_ =	sdelay $0x3  }
0x92: {  	_ =	strace s18  }
0x93: {  	s3 =	sld [smem:$0x3FFC];
	_ =	sdelay $0x3  }
0x94: {  	_ =	strace s3  }
0x95: {  	s3 =	sld [smem:$0x3FFD];
	_ =	sdelay $0x3  }
0x96: {  	_ =	strace s3  }
0x97: {  	_ =	strace $0x8FFFFFFF  }
0x98: {  	s19 =	sld [smem:$0x3FDB];
	_ =	sdelay $0x1  }
0x99: {  	s4 =	simm.s32 $_scs_section_size  }
0x9a: {  	s5 =	simm.s32 $_size__tile_overlayer_lowered;
	s6 =	simm.s32 $_tile_overlayer_lowered  }
0x9b: {  	s22 =	simm.s32 $0x1BFF;
	s21 =	sshll.u32 s6, $0x1;
	s3 =	sadd.s32 s4, s19  }
0x9c: {  	s7 =	simm.s32 $0x0;
	s20 =	sshll.u32 s5, $0x1;
	s5 =	sadd.s32 s21, s3  }
0x9d: {  	[timem:s7], [sflag:s22] =	dma.local [hbm:s5], s20  }
0x9e: {  	_ =	swait.ge [sflag:s22], s20  }
0x9f: {  	s4 =	ssub.s32 $0x0, s20;
	[sflag:s22] =	ssyncset.done $0x0  }
0xa0: {  	[sflag:s22] =	ssyncadd.s32 s4;
	_ =	sdelay $0x1  }
0xa1: {  	s23 =	simm.s32 $0x1B8B  }
0xa2: {  	_ =	swait.ge [sflag:s23], $0x1  }
0xa3: {  	[sflag:s23] =	ssyncset.done $0x0  }
0xa4: {  	s25 =	simm.s32 $0x1B8E;
	s24 =	sld [smem:$0x3FFE];
	[sflag:s23] =	ssyncadd.s32 $0xFFFFFFFF  }
0xa5: {  	s26 =	simm.s32 $execute0_lowered;
	[smem:$0x3FD2] =	sst s25  }
0xa6: {  	s5 =	sshll.u32 s26, $0x1;
	_ =	strace $0x80000046;
	[dreg:$0x1] =	wrdreg $0xFFFFFFFF  }
0xa7: {  	s28 =	simm.s32 $_size_execute0_lowered;
	s3 =	sadd.s32 s3, s5;
	[dreg:$0x0] =	wrdreg $0x0  }
0xa8: {  	s5 =	sshll.u32 s28, $0x1;
	[dreg:$0x2] =	wrdreg s3  }
0xa9: {  	[dreg:$0x3] =	wrdreg s5  }
0xaa: {  	[dreg:$0x4] =	wrdreg $0xC0  }
0xab: {  	_ =	task [dreg:s7], $0x5FFFF  }
0xac: {  	[dreg:$0x1] =	wrdreg $0xFFFFFFFF  }
0xad: {  	[dreg:$0x0] =	wrdreg $0x60  }
0xae: {  	[dreg:$0x2] =	wrdreg s2  }
0xaf: {  	[dreg:$0x3] =	wrdreg s24  }
0xb0: {  	[dreg:$0x4] =	wrdreg $0xB7800  }
0xb1: {  	[dreg:$0x5] =	wrdreg $0x9  }
0xb2: {  	_ =	task.clear_ibuf [dreg:s7], $0x6FFFF;
	_ =	strace $0x90000046  }
0xb3: {  	s29 =	simm.s32 $0x9;
	_ =	strace $0x80000048  }
0xb4: {  	_ =	swait.ge [sflag:s29], $0x1  }
0xb5: {  	[sflag:s29] =	ssyncadd.s32 $0xFFFFFFFF  }
0xb6: {  	_ =	strace $0x90000048  }
0xb7: {  	_ =	sfence  }
0xb8: {  	s30 =	sld [smem:$0x0];
	_ =	sdelay $0x2  }
0xb9: {  	s31 =	sshll.u32 s1, $0xD;
	s1 =	sshrl.u32 s1, $0x2  }
0xba: {  	s3 =	sand.u32 $0x4000, s31;
	s1 =	sadd.s32 s1, s30  }
0xbb: {  	s0 =	sor.u32 s3, s0;
	s1 =	sshll.u32 s1, $0x11  }
0xbc: {  	s0 =	sor.u32 s1, s0  }
0xbd: {  	s0 =	sadd.s32 $0x8F2B, s0  }
0xbe: {  	[sflag:s0] =	ssyncadd.remote.s32 $0x1  }
0xbf: {  	_ =	sfence.sel $0xFFFF  }
0xc0: {  	[dreg:$0x0] =	wrdreg $0xFFFFFFFF;
	(pc) =	sbr.abs _section_cstart, $3  }
0xc1: {  	[dreg:$0x1] =	wrdreg $0xFFFFFFFF  }
0xc2: {  	_ =	task.clear_ibuf [dreg:s7], $0x2FFFF;
	_ =	strace $0x9FFFFFFF  }
0xc3: {  	(tm) =	ssettm $0x7FFFFFFF  }
tec
execute0_lowered:
.L_overlay_start_1:
0x0: {  	(tag) =	ssettag $0x1  }
0x1: {  	s1 =	rddreg [dreg:$0x0]  }
0x2: {  	s0 =	srdreg.scid;
	s2 =	rddreg [dreg:$0x1]  }
0x3: {  	s13 =	stileid.u32;
	s3 =	rddreg [dreg:$0x2];
	s14 =	simm.s32 $0x5  }
0x4: {  	s15 =	simm.s32 $0x50;
	s16 =	simm.s32 $0x6780;
	s17 =	simm.s32 $0x8F80  }
0x5: {  	s28 =	simm.s32 $0x6500;
	s29 =	simm.s32 $0x26C0;
	s30 =	simm.s32 $0x6580  }
0x6: {  	s31 =	simm.s32 $0x0;
	s0 =	sand.u32 $0x1, s0;
	s8 =	smul.u32 $0x13800, s13  }
0x7: {  	s4 =	sshrl.u32 s13, $0x3;
	s7 =	sshll.u32 s13, $0x7;
	s12 =	smul.u32 $0x4E000, s13  }
0x8: {  	s20 =	sshll.u32 s13, $0xB;
	s10 =	sadd.s32 $0x45600, s2;
	s5 =	smul.u32 $0x27800, s0  }
0x9: {  	p0 =	sne.s32 s13, $0xF;
	s26 =	sshll.u32 s13, $0x6;
	s6 =	smul.u32 $0x13C00, s4  }
0xa: {  	s4 =	simm.s32 $0x0;
	s19 =	sand.u32 $0x380, s7;
	s9 =	ssub.s32 $0x2, s0  }
0xb: {  	s22 =	sshll.u32 s0, $0xF;
	s0 =	smul.u32 $0x138800, s0;
	[smem:$0x7FF] =	sst s4  }
0xc: {  	s21 =	sshrl.u32 s8, $0x3;
	s11 =	sshrl.u32 s9, $0x1;
	s23 =	sshrl.u32 s12, $0x2  }
0xd: {  	s5 =	sadd.s32 s5, s6;
	_ =	strace $0x80000047;
	s6 =	sadd.s32 s20, s2  }
0xe: {  	s7 =	sadd.s32 s21, s2;
	s11 =	ssub.s32 s9, s11;
	s12 =	sadd.s32 s23, s3  }
0xf: {  	s21 =	sadd.s32 $0x138000, s3;
	s24 =	sadd.s32 s8, s0;
	s0 =	sshrl.u32 s0, $0x3  }
0x10: {  	s8 =	sadd.s32 $0x45400, s2;
	s23 =	simm.s32 $0x2;
	s5 =	sor.u32 s19, s5  }
0x11: {  	s6 =	sadd.s32 s22, s6;
	s7 =	sadd.s32 $0x1E400, s7;
	s25 =	sshrl.u32 s24, $0x3  }
0x12: {  	s0 =	sadd.s32 s10, s0;
	s11 =	smax.u32 s11, $0x1;
	s19 =	sor.u32 $0x1C05, s26  }
0x13: {  	s20 =	sshrl.u32 s12, $0x3;
	s21 =	sshrl.u32 @!p0 s21, $0x3;
	s22 =	simm.s32 $0x1  }
0x14: {  	s24 =	simm.s32 $0x3;
	s26 =	simm.s32 $0x6480;
	s5 =	sshrl.u32 s5, $0x3  }
0x15: {  	s6 =	sadd.s32 $0x4600, s6;
	s9 =	sadd.s32 s10, s25;
	s5 =	sadd.s32 s5, s2  }
0x16: {  	s10 =	sadd.s32 $0x27000, s0;
	s25 =	simm.s32 $0x4;
	s5 =	sadd.s32 $0x14600, s5  }
.LBB2_1:
0x17: {  	s0 =	simm.s32 $0x80;
	s2 =	simm.s32 $0x400  }
0x18: {  	[tilespmem:s4], [sflag:$0x5] =	stream.strided.gather [hbm4b:s5+s0], $0x2780, s2, s0, $0x38;
	[tilespmem:$0x1F000] =	vst v63  }
0x19: {  	_ =	swait.ge [sflag:s14], $0x2780  }
0x1a: {  	[sflag:s14] =	ssyncset.done $0x0  }
0x1b: {  	[sflag:s14] =	ssyncadd.s32 $0xFFFFD880  }
0x1c: {  	[tilespmem:s16], [sflag:$0x1] =	stream.indirect.gather [hbm4b:s1+s15], $0x80, s4, s15, $0xb8;
	[tilespmem:$0x1F000] =	vst v63  }
0x1d: {  	_ = 	snop  }
0x1e: {  	[tilespmem:s17], [sflag:$0x2] =	stream.indirect.gather [hbm4b:s1+s15], $0x80, s15, s15, $0xb8;
	[tilespmem:$0x1F000] =	vst v63  }
0x1f: {  	s2 =	simm.s32 $0x2780  }
0x20: {  	[tilespmem:s2], [sflag:$0x5] =	stream.linear.gather [hbm4b:s6+s4], $0x3E80, $0x38;
	[tilespmem:$0x1F000] =	vst v63  }
0x21: {  	_ =	swait.ge [sflag:s14], $0x3E80  }
0x22: {  	[sflag:s14] =	ssyncset.done $0x0  }
0x23: {  	[sflag:s14] =	ssyncadd.s32 $0xFFFFC180  }
0x24: {  	[spmem:s20], [sflag:s19] =	dma.local [hbm:s7], $0x2700  }
0x25: {  	_ =	swait.ge [sflag:s14], $0x2700  }
0x26: {  	[sflag:s14] =	ssyncset.done $0x0  }
0x27: {  	s0 =	simm.s32 @!p0 $0x5;
	[sflag:s14] =	ssyncadd.s32 $0xFFFFD900  }
0x28: {  	[spmem:s21], [sflag:s19] =	dma.local @!p0 [hbm:s8], $0x100  }
0x29: {  	_ =	swait.ge @!p0 [sflag:s0], $0x100  }
0x2a: {  	[sflag:s0] =	ssyncset.done @!p0 $0x0  }
0x2b: {  	[sflag:s0] =	ssyncadd.s32 @!p0 $0xFFFFFF00  }
0x2c: {  	[bflag:$0x0] =	sbarrier.arrive $0xFFFF  }
0x2d: {  	_ =	swait.ge [sflag:s22], $0x2800  }
0x2e: {  	[sflag:s22] =	ssyncset.done $0x0  }
0x2f: {  	s12 =	simm.s32 $0x2780;
	[sflag:s22] =	ssyncadd.s32 $0xFFFFD800  }
0x30: {  	[spmem:s3] =	stream.indirect.scatter.add.f32 [tilespmem:s16], [sflag:$0x3], $0x80, s12, s15, $0xb8;
	[tilespmem:$0x1F000] =	vst v63  }
0x31: {  	_ =	swait.ge [sflag:s23], $0x2800  }
0x32: {  	[sflag:s23] =	ssyncset.done $0x0  }
0x33: {  	s13 =	simm.s32 $0x2800;
	[sflag:s23] =	ssyncadd.s32 $0xFFFFD800  }
0x34: {  	[spmem:s3] =	stream.indirect.scatter.add.f32 [tilespmem:s17], [sflag:$0x4], $0x80, s13, s15, $0xb8;
	[tilespmem:$0x1F000] =	vst v63  }
0x35: {  	_ =	swait.ge [sflag:s24], $0x2800  }
0x36: {  	[sflag:s24] =	ssyncset.done $0x0  }
0x37: {  	s18 =	simm.s32 $0xA0;
	[sflag:s24] =	ssyncadd.s32 $0xFFFFD800  }
0x38: {  	[tilespmem:s16], [sflag:$0x1] =	stream.indirect.gather [hbm4b:s1+s15], $0x80, s18, s15, $0xb8;
	[tilespmem:$0x1F000] =	vst v63  }
0x39: {  	_ =	swait.ge [sflag:s25], $0x2800  }
0x3a: {  	s2 =	simm.s32 $0xF0;
	[sflag:s25] =	ssyncset.done $0x0  }
0x3b: {  	s0 =	simm.s32 $0x400;
	s12 =	simm.s32 $0x190;
	[sflag:s25] =	ssyncadd.s32 $0xFFFFD800  }
.LBB2_2:
0x3c: {  	[tilespmem:s17], [sflag:$0x2] =	stream.indirect.gather [hbm4b:s1+s15], $0x80, s2, s15, $0xb8;
	[tilespmem:$0x1F000] =	vst v63  }
0x3d: {  	s13 =	smov.u32 s0;
	s2 =	smov.u32 s12  }
0x3e: {  	p1 =	sne.s32 s0, $0xF000;
	s0 =	sadd.s32 $0x400, s0;
	_ =	swait.ge [sflag:s22], $0x2800  }
0x3f: {  	s13 =	sshra.s32 s13, $0x2;
	[sflag:s22] =	ssyncset.done $0x0  }
0x40: {  	s18 =	sadd.s32 $0x2780, s13;
	[sflag:s22] =	ssyncadd.s32 $0xFFFFD800  }
0x41: {  	[spmem:s3] =	stream.indirect.scatter.add.f32 [tilespmem:s16], [sflag:$0x3], $0x80, s18, s15, $0xb8;
	[tilespmem:$0x1F000] =	vst v63  }
0x42: {  	_ =	swait.ge [sflag:s23], $0x2800  }
0x43: {  	[sflag:s23] =	ssyncset.done $0x0  }
0x44: {  	s13 =	sadd.s32 $0x2800, s13;
	[sflag:s23] =	ssyncadd.s32 $0xFFFFD800  }
0x45: {  	[spmem:s3] =	stream.indirect.scatter.add.f32 [tilespmem:s17], [sflag:$0x4], $0x80, s13, s15, $0xb8;
	[tilespmem:$0x1F000] =	vst v63  }
0x46: {  	_ =	swait.ge [sflag:s24], $0x2800  }
0x47: {  	[sflag:s24] =	ssyncset.done $0x0  }
.Ltmp0:
0x48: {  	s13 =	sadd.s32 $0xFFFFFFB0, s12;
	[sflag:s24] =	ssyncadd.s32 $0xFFFFD800;
	(pc) =	sbr.rel @p1 .LBB2_2-.Ltmp0, $4  }
0x49: {  	[tilespmem:s16], [sflag:$0x1] =	stream.indirect.gather [hbm4b:s1+s15], $0x80, s13, s15, $0xb8;
	[tilespmem:$0x1F000] =	vst v63  }
0x4a: {  	_ =	swait.ge [sflag:s25], $0x2800  }
0x4b: {  	[sflag:s25] =	ssyncset.done $0x0  }
0x4c: {  	s12 =	sadd.s32 $0xA0, s12;
	[sflag:s25] =	ssyncadd.s32 $0xFFFFD800  }
0x4d: {  	[tilespmem:s17], [sflag:$0x2] =	stream.indirect.gather [hbm4b:s1+s15], $0x80, s2, s15, $0xb8;
	[tilespmem:$0x1F000] =	vst v63  }
0x4e: {  	_ =	swait.ge [sflag:s22], $0x2800  }
0x4f: {  	[sflag:s22] =	ssyncset.done $0x0  }
0x50: {  	[sflag:s22] =	ssyncadd.s32 $0xFFFFD800  }
0x51: {  	[spmem:s3] =	stream.indirect.scatter.add.f32 [tilespmem:s16], [sflag:$0x3], $0x80, s26, s15, $0xb8;
	[tilespmem:$0x1F000] =	vst v63  }
0x52: {  	_ =	swait.ge [sflag:s23], $0x2800  }
0x53: {  	[sflag:s23] =	ssyncset.done $0x0  }
0x54: {  	[sflag:s23] =	ssyncadd.s32 $0xFFFFD800  }
0x55: {  	[spmem:s3] =	stream.indirect.scatter.add.f32 [tilespmem:s17], [sflag:$0x4], $0x80, s28, s15, $0xb8;
	[tilespmem:$0x1F000] =	vst v63  }
0x56: {  	_ =	swait.ge [sflag:s24], $0x2800  }
0x57: {  	[sflag:s24] =	ssyncset.done $0x0  }
0x58: {  	[sflag:s24] =	ssyncadd.s32 $0xFFFFD800  }
0x59: {  	[tilespmem:s16], [sflag:$0x1] =	stream.indirect.gather [hbm4b:s1+s15], $0x80, s29, s15, $0xb8;
	[tilespmem:$0x1F000] =	vst v63  }
0x5a: {  	_ =	swait.ge [sflag:s25], $0x2800  }
0x5b: {  	[sflag:s25] =	ssyncset.done $0x0  }
0x5c: {  	[sflag:s25] =	ssyncadd.s32 $0xFFFFD800  }
0x5d: {  	_ =	swait.ge [sflag:s22], $0x2800  }
0x5e: {  	[sflag:s22] =	ssyncset.done $0x0  }
0x5f: {  	[sflag:s22] =	ssyncadd.s32 $0xFFFFD800  }
0x60: {  	[spmem:s3] =	stream.indirect.scatter.add.f32 [tilespmem:s16], [sflag:$0x5], $0x80, s30, s15, $0xb8;
	[tilespmem:$0x1F000] =	vst v63  }
0x61: {  	_ =	swait.ge [sflag:s14], $0x2800  }
0x62: {  	[sflag:s14] =	ssyncset.done $0x0  }
0x63: {  	[sflag:s14] =	ssyncadd.s32 $0xFFFFD800  }
0x64: {  	[bflag:$0x0] =	sbarrier.arrive $0xFFFF  }
0x65: {  	[hbm:s9], [sflag:s19] =	dma.local [spmem:s20], $0x2700  }
0x66: {  	s31 =	sadd.s32 $0x1, s31;
	_ =	swait.ge [sflag:s14], $0x2700  }
0x67: {  	p1 =	sne.s32 s31, s11;
	[sflag:s14] =	ssyncset.done $0x0  }
.Ltmp1:
0x68: {  	s0 =	simm.s32 @!p0 $0x5;
	[sflag:s14] =	ssyncadd.s32 $0xFFFFD900;
	(pc) =	sbr.rel @p1 .LBB2_1-.Ltmp1, $4  }
0x69: {  	[hbm:s10], [sflag:s19] =	dma.local @!p0 [spmem:s21], $0x100  }
0x6a: {  	_ =	swait.ge @!p0 [sflag:s0], $0x100  }
0x6b: {  	[sflag:s0] =	ssyncset.done @!p0 $0x0  }
0x6c: {  	[sflag:s0] =	ssyncadd.s32 @!p0 $0xFFFFFF00  }
0x6d: {  	_ =	sfence.sel $0x180000  }
0x6e: {  	[bflag:$0x0] =	sbarrier.arrive $0xFFFF  }
0x6f: {  	_ =	strace $0x90000047  }
0x70: {  	s0 =	stileid.u32;
	[bflag:$0x2] =	sbarrier.arrive $0xFFFF  }
0x71: {  	p0 =	sne.s32 s0, $0x0;
	s0 =	rddreg [dreg:$0x3]  }
0x72: {  	s0 =	sadd.s32 @!p0 $0x100000, s0  }
0x73: {  	[sflag:s0] =	ssyncadd.tile.s32 @!p0 $0x1;
	_ =	shalt  }
.Lfunc_end2:
_tile_overlayer_lowered:
.L_overlay_start_2:
0x74: {  	(tag) =	ssettag $0x2  }
0x75: {  	s0 =	rddreg [dreg:$0x0];
	s2 =	stileid.u32  }
0x76: {  	s1 =	rddreg [dreg:$0x1];
	p0 =	sne.s32 s2, $0x0  }
0x77: {  	s3 =	rddreg [dreg:$0x2];
	[bflag:$0x3] =	sbarrier.arrive $0xFFFF;
	s2 =	simm.s32 @!p0 $0x1C05  }
0x78: {  	[timem:s3], [sflag:s2] =	dma.local @!p0 [hbm:s0], s1  }
0x79: {  	s0 =	simm.s32 @!p0 $0x5  }
0x7a: {  	_ =	swait.ge @!p0 [sflag:s0], s1  }
0x7b: {  	s1 =	ssub.s32 @!p0 $0x0, s1;
	[sflag:s0] =	ssyncset.done @!p0 $0x0  }
0x7c: {  	[sflag:s0] =	ssyncadd.s32 @!p0 s1  }
0x7d: {  	[bflag:$0x3] =	sbarrier.arrive $0xFFFF  }
0x7e: {  	_ =	shalt  }

// kernel: kernel.14.cloned.1.call-start
scs
__scs_entry_jumppad:
0x0: {  	(pc) =	sbr.rel $0x88, $3  }
0x1: {  	(tag) =	ssettag $0x0;
	lr =	simm.s32 $0x1  }
0x2: {  	[smem:$0x3F8C] =	sst lr;
	_ =	strace $0xD0000000  }
0x3: {  	_ = 	snop  }
0x4: {  	_ = 	snop  }
0x5: {  	_ = 	snop  }
0x6: {  	_ = 	snop  }
0x7: {  	_ = 	snop  }
__scs_overlays_trampoline_lowered:
0x8: {  	[smem:$0x3F9B] =	sst s0  }
0x9: {  	[smem:$0x3F9C] =	sst s1  }
0xa: {  	[smem:$0x3F9D] =	sst s2  }
0xb: {  	[smem:$0x3F9E] =	sst s3  }
0xc: {  	[smem:$0x3F9F] =	sst s4  }
0xd: {  	[smem:$0x3FA0] =	sst s5  }
0xe: {  	[smem:$0x3FA1] =	sst s6  }
0xf: {  	[smem:$0x3FA2] =	sst s7  }
0x10: {  	[smem:$0x3FA3] =	sst s8  }
0x11: {  	[smem:$0x3FA4] =	sst s9;
	s0 =	simm.s32 @!p0 $0x0  }
0x12: {  	s1 =	sld [smem:$0x3F8A];
	s0 =	simm.s32 @p0 $0x1  }
0x13: {  	[smem:$0x3FA5] =	sst s0;
	s0 =	simm.s32 @!p1 $0x0  }
0x14: {  	s2 =	sld [smem:$0x3F89];
	s0 =	simm.s32 @p1 $0x1  }
0x15: {  	[smem:$0x3FA6] =	sst s0;
	s0 =	simm.s32 @!p2 $0x0  }
0x16: {  	s3 =	sld [smem:$0x3FDB];
	s0 =	simm.s32 @p2 $0x1  }
0x17: {  	s4 =	simm.s32 $0x1BF5;
	[smem:$0x3FA8] =	sst s0  }
0x18: {  	s0 =	sld [smem:$0x3F8B];
	_ =	swait.ge [sflag:s4], $0x0  }
0x19: {  	s7 =	sld [smem:$0x3F8C]  }
0x1a: {  	s8 =	sadd.s32 $0xFFFFE003, lr  }
0x1b: {  	s9 =	sadd.s32 $0xFFFFFEF7, lr;
	s5 =	simm.s32 $0xFFFFFFFF;
	p2 =	slt.u32 s8, $0xFFFFF086  }
0x1c: {  	p1 =	slt.u32 s9, $0xF7A;
	s5 =	simm.s32 @!p2 $0x0  }
0x1d: {  	s5 =	simm.s32 @p1 $0x1;
	p0 =	seq.s32 s7, s2  }
0x1e: {  	s7 =	smul.u32 @!p0 $0xF7A, s2;
	p2 =	seq.s32 @!p0 s5, $0x0  }
0x1f: {  	s9 =	smul.u32 $0xF7A, s1;
	s8 =	simm.s32 @!p0 $0x1BF5;
	p2 =	por !p2, p0  }
0x20: {  	[sflag:s8] =	ssyncset.s32 @!p0 $0xFFFFF086;
	s6 =	sadd.s32 @!p0 s3, s7;
	s7 =	simm.s32 @!p0 $0x108  }
0x21: {  	s3 =	sadd.s32 s3, s9;
	s6 =	sadd.s32 @!p0 $0x88, s6;
	s7 =	simm.s32 @p2 $0x1082  }
0x22: {  	[simem:s7], [sflag:s8] =	dma.local @!p0 [hbm:s6], $0xF7A  }
0x23: {  	s9 =	sor.u32 $0xD0000000, s2;
	s6 =	simm.s32 $0x108;
	_ =	swait.ge @!p0 [sflag:s8], $0x0  }
0x24: {  	s3 =	sadd.s32 $0x88, s3;
	s6 =	simm.s32 @!p1 $0x1082;
	[sflag:s4] =	ssyncset.s32 $0xFFFFF086  }
0x25: {  	[simem:s6], [sflag:s4] =	dma.local [hbm:s3], $0xF7A  }
0x26: {  	[smem:$0x3F8C] =	sst s1;
	(tag) =	ssettag s2;
	_ =	strace s9  }
0x27: {  	s1 =	sld [smem:$0x3F9C]  }
0x28: {  	s2 =	sld [smem:$0x3F9D]  }
0x29: {  	s4 =	sld [smem:$0x3F9F]  }
0x2a: {  	p0 =	seq.s32 s5, $0x0;
	s5 =	sld [smem:$0x3FA0]  }
0x2b: {  	s6 =	sld [smem:$0x3FA1]  }
0x2c: {  	s7 =	sld [smem:$0x3FA2]  }
0x2d: {  	s3 =	simm.s32 $0x108;
	s8 =	sld [smem:$0x3FA3]  }
0x2e: {  	s3 =	simm.s32 @!p0 $0x1082;
	s9 =	sld [smem:$0x3FA4]  }
0x2f: {  	lr =	sadd.s32 s0, s3;
	s0 =	sld [smem:$0x3F9B]  }
0x30: {  	s3 =	sld [smem:$0x3F9E]  }
0x31: {  	[smem:$0x3FA7] =	sst s10  }
0x32: {  	s10 =	sld [smem:$0x3FA5];
	_ =	sdelay $0x3  }
0x33: {  	p0 =	seq.s32 s10, $0x1;
	s10 =	sld [smem:$0x3FA7];
	_ =	sdelay $0x3  }
0x34: {  	[smem:$0x3FA7] =	sst s10  }
0x35: {  	s10 =	sld [smem:$0x3FA6];
	_ =	sdelay $0x3  }
0x36: {  	p1 =	seq.s32 s10, $0x1;
	s10 =	sld [smem:$0x3FA7];
	_ =	sdelay $0x3  }
0x37: {  	[smem:$0x3FA7] =	sst s10  }
0x38: {  	s10 =	sld [smem:$0x3FA8]  }
0x39: {  	_ = 	snop;
	(pc) =	sbr.ind lr, $3  }
0x3a: {  	_ = 	snop  }
0x3b: {  	_ = 	snop  }
0x3c: {  	p2 =	seq.s32 s10, $0x1;
	s10 =	sld [smem:$0x3FA7]  }
0x3d: {  	_ =	shalt  }
0x3e: {  	_ =	shalt  }
0x3f: {  	_ =	shalt  }
0x40: {  	_ =	shalt  }
0x41: {  	_ =	shalt  }
0x42: {  	_ =	shalt  }
0x43: {  	_ =	shalt  }
0x44: {  	_ =	shalt  }
0x45: {  	_ =	shalt  }
0x46: {  	_ =	shalt  }
0x47: {  	_ =	shalt  }
0x48: {  	_ =	shalt  }
0x49: {  	_ =	shalt  }
0x4a: {  	_ =	shalt  }
0x4b: {  	_ =	shalt  }
0x4c: {  	_ =	shalt  }
0x4d: {  	_ =	shalt  }
0x4e: {  	_ =	shalt  }
0x4f: {  	_ =	shalt  }
0x50: {  	_ =	shalt  }
0x51: {  	_ =	shalt  }
0x52: {  	_ =	shalt  }
0x53: {  	_ =	shalt  }
0x54: {  	_ =	shalt  }
0x55: {  	_ =	shalt  }
0x56: {  	_ =	shalt  }
0x57: {  	_ =	shalt  }
0x58: {  	_ =	shalt  }
0x59: {  	_ =	shalt  }
0x5a: {  	_ =	shalt  }
0x5b: {  	_ =	shalt  }
0x5c: {  	_ =	shalt  }
0x5d: {  	_ =	shalt  }
0x5e: {  	_ =	shalt  }
0x5f: {  	_ =	shalt  }
0x60: {  	_ =	shalt  }
0x61: {  	_ =	shalt  }
0x62: {  	_ =	shalt  }
0x63: {  	_ =	shalt  }
0x64: {  	_ =	shalt  }
0x65: {  	_ =	shalt  }
0x66: {  	_ =	shalt  }
0x67: {  	_ =	shalt  }
0x68: {  	_ =	shalt  }
0x69: {  	_ =	shalt  }
0x6a: {  	_ =	shalt  }
0x6b: {  	_ =	shalt  }
0x6c: {  	_ =	shalt  }
0x6d: {  	_ =	shalt  }
0x6e: {  	_ =	shalt  }
0x6f: {  	_ =	shalt  }
0x70: {  	_ =	shalt  }
0x71: {  	_ =	shalt  }
0x72: {  	_ =	shalt  }
0x73: {  	_ =	shalt  }
0x74: {  	_ =	shalt  }
0x75: {  	_ =	shalt  }
0x76: {  	_ =	shalt  }
0x77: {  	_ =	shalt  }
0x78: {  	_ =	shalt  }
0x79: {  	_ =	shalt  }
0x7a: {  	_ =	shalt  }
0x7b: {  	_ =	shalt  }
0x7c: {  	_ =	shalt  }
0x7d: {  	_ =	shalt  }
0x7e: {  	_ =	shalt  }
0x7f: {  	_ =	shalt  }
0x80: {  	_ =	shalt  }
0x81: {  	_ =	shalt  }
0x82: {  	_ =	shalt  }
0x83: {  	_ =	shalt  }
0x84: {  	_ =	shalt  }
0x85: {  	_ =	shalt  }
0x86: {  	_ =	shalt  }
0x87: {  	_ =	shalt  }
.Lfunc_end0:
.L_simem_size_0:
called_computation.1_lowered:
.L_overlay_start_0:
0x88: {  	s2 =	sld [smem:$0x3FD9]  }
0x89: {  	s3 =	sld [smem:$0x3FFE];
	_ =	sdelay $0x1  }
0x8a: {  	s1 =	srdreg.scid  }
0x8b: {  	s0 =	sand.u32 $0x1, s1  }
0x8c: {  	s16 =	sshll.u32 s0, $0xA;
	s2 =	sadd.s32 s3, s2  }
0x8d: {  	s2 =	sadd.s32 s2, s16  }
0x8e: {  	[smem:$0x3FB3] =	sst s2  }
0x8f: {  	_ = 	snop  }
0x90: {  	(tm) =	ssettm $0x1  }
0x91: {  	s17 =	sld [smem:$0x3FFB];
	_ =	sdelay $0x3  }
0x92: {  	_ =	strace s17  }
0x93: {  	s2 =	sld [smem:$0x3FFC];
	_ =	sdelay $0x3  }
0x94: {  	_ =	strace s2  }
0x95: {  	s2 =	sld [smem:$0x3FFD];
	_ =	sdelay $0x3  }
0x96: {  	_ =	strace s2  }
0x97: {  	_ =	strace $0x8FFFFFFF  }
0x98: {  	s18 =	sld [smem:$0x3FDB];
	_ =	sdelay $0x1  }
0x99: {  	s19 =	simm.s32 $_scs_section_size  }
0x9a: {  	s4 =	simm.s32 $_size__tile_overlayer_lowered;
	s5 =	simm.s32 $_tile_overlayer_lowered  }
0x9b: {  	s22 =	simm.s32 $0x1BFF;
	s21 =	sshll.u32 s5, $0x1;
	s2 =	sadd.s32 s19, s18  }
0x9c: {  	s6 =	simm.s32 $0x0;
	s20 =	sshll.u32 s4, $0x1;
	s4 =	sadd.s32 s21, s2  }
0x9d: {  	[timem:s6], [sflag:s22] =	dma.local [hbm:s4], s20  }
0x9e: {  	_ =	swait.ge [sflag:s22], s20  }
0x9f: {  	s3 =	ssub.s32 $0x0, s20;
	[sflag:s22] =	ssyncset.done $0x0  }
0xa0: {  	[sflag:s22] =	ssyncadd.s32 s3;
	_ =	sdelay $0x1  }
0xa1: {  	s23 =	simm.s32 $0x1B8B  }
0xa2: {  	_ =	swait.ge [sflag:s23], $0x1  }
0xa3: {  	[sflag:s23] =	ssyncset.done $0x0  }
0xa4: {  	s25 =	simm.s32 $0x1B8E;
	s24 =	sld [smem:$0x3FFE];
	[sflag:s23] =	ssyncadd.s32 $0xFFFFFFFF  }
0xa5: {  	s26 =	simm.s32 $execute0_lowered;
	[smem:$0x3FD2] =	sst s25  }
0xa6: {  	s4 =	sshll.u32 s26, $0x1;
	_ =	strace $0x80000049;
	[dreg:$0x1] =	wrdreg $0xFFFFFFFF  }
0xa7: {  	s28 =	simm.s32 $_size_execute0_lowered;
	s2 =	sadd.s32 s2, s4;
	[dreg:$0x0] =	wrdreg $0x0  }
0xa8: {  	s4 =	sshll.u32 s28, $0x1;
	[dreg:$0x2] =	wrdreg s2  }
0xa9: {  	[dreg:$0x3] =	wrdreg s4  }
0xaa: {  	[dreg:$0x4] =	wrdreg $0xC0  }
0xab: {  	_ =	task [dreg:s6], $0x5FFFF  }
0xac: {  	[dreg:$0x1] =	wrdreg $0xFFFFFFFF  }
0xad: {  	[dreg:$0x0] =	wrdreg $0x60  }
0xae: {  	[dreg:$0x2] =	wrdreg s24  }
0xaf: {  	[dreg:$0x3] =	wrdreg $0xB7800  }
0xb0: {  	[dreg:$0x4] =	wrdreg $0x9  }
0xb1: {  	_ =	task.clear_ibuf [dreg:s6], $0x5FFFF;
	_ =	strace $0x90000049  }
0xb2: {  	s29 =	simm.s32 $0x9;
	_ =	strace $0x8000004B  }
0xb3: {  	_ =	swait.ge [sflag:s29], $0x1  }
0xb4: {  	[sflag:s29] =	ssyncadd.s32 $0xFFFFFFFF  }
0xb5: {  	_ =	strace $0x9000004B  }
0xb6: {  	_ =	sfence  }
0xb7: {  	s30 =	sld [smem:$0x0];
	_ =	sdelay $0x2  }
0xb8: {  	s31 =	sshll.u32 s1, $0xD;
	s1 =	sshrl.u32 s1, $0x2  }
0xb9: {  	s3 =	sand.u32 $0x4000, s31;
	s1 =	sadd.s32 s1, s30  }
0xba: {  	s0 =	sor.u32 s3, s0;
	s1 =	sshll.u32 s1, $0x11  }
0xbb: {  	s0 =	sor.u32 s1, s0  }
0xbc: {  	s0 =	sadd.s32 $0x8F2B, s0  }
0xbd: {  	[sflag:s0] =	ssyncadd.remote.s32 $0x1  }
0xbe: {  	_ =	sfence.sel $0xFFFF  }
0xbf: {  	[dreg:$0x0] =	wrdreg $0xFFFFFFFF;
	(pc) =	sbr.abs _section_cstart, $3  }
0xc0: {  	[dreg:$0x1] =	wrdreg $0xFFFFFFFF  }
0xc1: {  	_ =	task.clear_ibuf [dreg:s6], $0x2FFFF;
	_ =	strace $0x9FFFFFFF  }
0xc2: {  	(tm) =	ssettm $0x7FFFFFFF  }
0xc3: {  	_ =	shalt  }
tec
execute0_lowered:
.L_overlay_start_1:
0x0: {  	(tag) =	ssettag $0x1  }
0x1: {  	s0 =	srdreg.scid  }
0x2: {  	s13 =	stileid.u32;
	s1 =	rddreg [dreg:$0x0]  }
0x3: {  	s2 =	rddreg [dreg:$0x1];
	s14 =	simm.s32 $0x5;
	s15 =	simm.s32 $0x50  }
0x4: {  	s16 =	simm.s32 $0x6780;
	s17 =	simm.s32 $0x8F80;
	s28 =	simm.s32 $0x6500  }
0x5: {  	s29 =	simm.s32 $0x26C0;
	s30 =	simm.s32 $0x6580;
	s31 =	simm.s32 $0x0  }
0x6: {  	s0 =	sand.u32 $0x1, s0;
	s3 =	sshrl.u32 s13, $0x3;
	s8 =	smul.u32 $0x13800, s13  }
0x7: {  	s6 =	sshll.u32 s13, $0x7;
	s21 =	sshll.u32 s13, $0xB;
	s12 =	smul.u32 $0x4E000, s13  }
0x8: {  	s10 =	sadd.s32 $0x6C800, s1;
	p0 =	sne.s32 s13, $0xF;
	s4 =	smul.u32 $0x27800, s0  }
0x9: {  	s26 =	sshll.u32 s13, $0x6;
	s5 =	smul.u32 $0x13C00, s3;
	s3 =	simm.s32 $0x0  }
0xa: {  	s20 =	sand.u32 $0x380, s6;
	s6 =	sadd.s32 s21, s1;
	s9 =	ssub.s32 $0x2, s0  }
0xb: {  	s22 =	sshll.u32 s0, $0xF;
	s0 =	smul.u32 $0x138800, s0;
	s21 =	sadd.s32 $0x138000, s2  }
0xc: {  	s19 =	sor.u32 $0x1C05, s26;
	s26 =	simm.s32 $0x6480;
	[smem:$0x7FF] =	sst s3  }
0xd: {  	s7 =	sshrl.u32 s8, $0x3;
	s11 =	sshrl.u32 s9, $0x1;
	s6 =	sadd.s32 s22, s6  }
0xe: {  	s23 =	sshrl.u32 s12, $0x2;
	s21 =	sshrl.u32 @!p0 s21, $0x3;
	s22 =	simm.s32 $0x1  }
0xf: {  	s4 =	sadd.s32 s4, s5;
	_ =	strace $0x8000004A;
	s7 =	sadd.s32 s7, s1  }
0x10: {  	s11 =	ssub.s32 s9, s11;
	s6 =	sadd.s32 $0x4600, s6;
	s12 =	sadd.s32 s23, s2  }
0x11: {  	s24 =	sadd.s32 s8, s0;
	s0 =	sshrl.u32 s0, $0x3;
	s8 =	sadd.s32 $0x45400, s1  }
0x12: {  	s23 =	simm.s32 $0x2;
	s5 =	sor.u32 s20, s4;
	s4 =	sadd.s32 $0x45600, s1  }
0x13: {  	s7 =	sadd.s32 $0x1E400, s7;
	s25 =	sshrl.u32 s24, $0x3;
	s0 =	sadd.s32 s10, s0  }
0x14: {  	s11 =	smax.u32 s11, $0x1;
	s20 =	sshrl.u32 s12, $0x3;
	s5 =	sshrl.u32 s5, $0x3  }
0x15: {  	s24 =	simm.s32 $0x3;
	s9 =	sadd.s32 s10, s25;
	s5 =	sadd.s32 s5, s1  }
0x16: {  	s10 =	sadd.s32 $0x27000, s0;
	s25 =	simm.s32 $0x4;
	s5 =	sadd.s32 $0x14600, s5  }
.LBB2_1:
0x17: {  	s0 =	simm.s32 $0x80;
	s1 =	simm.s32 $0x400  }
0x18: {  	[tilespmem:s3], [sflag:$0x5] =	stream.strided.gather [hbm4b:s5+s0], $0x2780, s1, s0, $0x38;
	[tilespmem:$0x1F000] =	vst v63  }
0x19: {  	_ =	swait.ge [sflag:s14], $0x2780  }
0x1a: {  	[sflag:s14] =	ssyncset.done $0x0  }
0x1b: {  	[sflag:s14] =	ssyncadd.s32 $0xFFFFD880  }
0x1c: {  	[tilespmem:s16], [sflag:$0x1] =	stream.indirect.gather [hbm4b:s4+s15], $0x80, s3, s15, $0xb8;
	[tilespmem:$0x1F000] =	vst v63  }
0x1d: {  	_ = 	snop  }
0x1e: {  	[tilespmem:s17], [sflag:$0x2] =	stream.indirect.gather [hbm4b:s4+s15], $0x80, s15, s15, $0xb8;
	[tilespmem:$0x1F000] =	vst v63  }
0x1f: {  	s1 =	simm.s32 $0x2780  }
0x20: {  	[tilespmem:s1], [sflag:$0x5] =	stream.linear.gather [hbm4b:s6+s3], $0x3E80, $0x38;
	[tilespmem:$0x1F000] =	vst v63  }
0x21: {  	_ =	swait.ge [sflag:s14], $0x3E80  }
0x22: {  	[sflag:s14] =	ssyncset.done $0x0  }
0x23: {  	[sflag:s14] =	ssyncadd.s32 $0xFFFFC180  }
0x24: {  	[spmem:s20], [sflag:s19] =	dma.local [hbm:s7], $0x2700  }
0x25: {  	_ =	swait.ge [sflag:s14], $0x2700  }
0x26: {  	[sflag:s14] =	ssyncset.done $0x0  }
0x27: {  	s0 =	simm.s32 @!p0 $0x5;
	[sflag:s14] =	ssyncadd.s32 $0xFFFFD900  }
0x28: {  	[spmem:s21], [sflag:s19] =	dma.local @!p0 [hbm:s8], $0x100  }
0x29: {  	_ =	swait.ge @!p0 [sflag:s0], $0x100  }
0x2a: {  	[sflag:s0] =	ssyncset.done @!p0 $0x0  }
0x2b: {  	[sflag:s0] =	ssyncadd.s32 @!p0 $0xFFFFFF00  }
0x2c: {  	[bflag:$0x0] =	sbarrier.arrive $0xFFFF  }
0x2d: {  	_ =	swait.ge [sflag:s22], $0x2800  }
0x2e: {  	[sflag:s22] =	ssyncset.done $0x0  }
0x2f: {  	s12 =	simm.s32 $0x2780;
	[sflag:s22] =	ssyncadd.s32 $0xFFFFD800  }
0x30: {  	[spmem:s2] =	stream.indirect.scatter.add.f32 [tilespmem:s16], [sflag:$0x3], $0x80, s12, s15, $0xb8;
	[tilespmem:$0x1F000] =	vst v63  }
0x31: {  	_ =	swait.ge [sflag:s23], $0x2800  }
0x32: {  	[sflag:s23] =	ssyncset.done $0x0  }
0x33: {  	s13 =	simm.s32 $0x2800;
	[sflag:s23] =	ssyncadd.s32 $0xFFFFD800  }
0x34: {  	[spmem:s2] =	stream.indirect.scatter.add.f32 [tilespmem:s17], [sflag:$0x4], $0x80, s13, s15, $0xb8;
	[tilespmem:$0x1F000] =	vst v63  }
0x35: {  	_ =	swait.ge [sflag:s24], $0x2800  }
0x36: {  	[sflag:s24] =	ssyncset.done $0x0  }
0x37: {  	s18 =	simm.s32 $0xA0;
	[sflag:s24] =	ssyncadd.s32 $0xFFFFD800  }
0x38: {  	[tilespmem:s16], [sflag:$0x1] =	stream.indirect.gather [hbm4b:s4+s15], $0x80, s18, s15, $0xb8;
	[tilespmem:$0x1F000] =	vst v63  }
0x39: {  	_ =	swait.ge [sflag:s25], $0x2800  }
0x3a: {  	s1 =	simm.s32 $0xF0;
	[sflag:s25] =	ssyncset.done $0x0  }
0x3b: {  	s0 =	simm.s32 $0x400;
	s12 =	simm.s32 $0x190;
	[sflag:s25] =	ssyncadd.s32 $0xFFFFD800  }
.LBB2_2:
0x3c: {  	[tilespmem:s17], [sflag:$0x2] =	stream.indirect.gather [hbm4b:s4+s15], $0x80, s1, s15, $0xb8;
	[tilespmem:$0x1F000] =	vst v63  }
0x3d: {  	s13 =	smov.u32 s0;
	s1 =	smov.u32 s12  }
0x3e: {  	p1 =	sne.s32 s0, $0xF000;
	s0 =	sadd.s32 $0x400, s0;
	_ =	swait.ge [sflag:s22], $0x2800  }
0x3f: {  	s13 =	sshra.s32 s13, $0x2;
	[sflag:s22] =	ssyncset.done $0x0  }
0x40: {  	s18 =	sadd.s32 $0x2780, s13;
	[sflag:s22] =	ssyncadd.s32 $0xFFFFD800  }
0x41: {  	[spmem:s2] =	stream.indirect.scatter.add.f32 [tilespmem:s16], [sflag:$0x3], $0x80, s18, s15, $0xb8;
	[tilespmem:$0x1F000] =	vst v63  }
0x42: {  	_ =	swait.ge [sflag:s23], $0x2800  }
0x43: {  	[sflag:s23] =	ssyncset.done $0x0  }
0x44: {  	s13 =	sadd.s32 $0x2800, s13;
	[sflag:s23] =	ssyncadd.s32 $0xFFFFD800  }
0x45: {  	[spmem:s2] =	stream.indirect.scatter.add.f32 [tilespmem:s17], [sflag:$0x4], $0x80, s13, s15, $0xb8;
	[tilespmem:$0x1F000] =	vst v63  }
0x46: {  	_ =	swait.ge [sflag:s24], $0x2800  }
0x47: {  	[sflag:s24] =	ssyncset.done $0x0  }
.Ltmp0:
0x48: {  	s13 =	sadd.s32 $0xFFFFFFB0, s12;
	[sflag:s24] =	ssyncadd.s32 $0xFFFFD800;
	(pc) =	sbr.rel @p1 .LBB2_2-.Ltmp0, $4  }
0x49: {  	[tilespmem:s16], [sflag:$0x1] =	stream.indirect.gather [hbm4b:s4+s15], $0x80, s13, s15, $0xb8;
	[tilespmem:$0x1F000] =	vst v63  }
0x4a: {  	_ =	swait.ge [sflag:s25], $0x2800  }
0x4b: {  	[sflag:s25] =	ssyncset.done $0x0  }
0x4c: {  	s12 =	sadd.s32 $0xA0, s12;
	[sflag:s25] =	ssyncadd.s32 $0xFFFFD800  }
0x4d: {  	[tilespmem:s17], [sflag:$0x2] =	stream.indirect.gather [hbm4b:s4+s15], $0x80, s1, s15, $0xb8;
	[tilespmem:$0x1F000] =	vst v63  }
0x4e: {  	_ =	swait.ge [sflag:s22], $0x2800  }
0x4f: {  	[sflag:s22] =	ssyncset.done $0x0  }
0x50: {  	[sflag:s22] =	ssyncadd.s32 $0xFFFFD800  }
0x51: {  	[spmem:s2] =	stream.indirect.scatter.add.f32 [tilespmem:s16], [sflag:$0x3], $0x80, s26, s15, $0xb8;
	[tilespmem:$0x1F000] =	vst v63  }
0x52: {  	_ =	swait.ge [sflag:s23], $0x2800  }
0x53: {  	[sflag:s23] =	ssyncset.done $0x0  }
0x54: {  	[sflag:s23] =	ssyncadd.s32 $0xFFFFD800  }
0x55: {  	[spmem:s2] =	stream.indirect.scatter.add.f32 [tilespmem:s17], [sflag:$0x4], $0x80, s28, s15, $0xb8;
	[tilespmem:$0x1F000] =	vst v63  }
0x56: {  	_ =	swait.ge [sflag:s24], $0x2800  }
0x57: {  	[sflag:s24] =	ssyncset.done $0x0  }
0x58: {  	[sflag:s24] =	ssyncadd.s32 $0xFFFFD800  }
0x59: {  	[tilespmem:s16], [sflag:$0x1] =	stream.indirect.gather [hbm4b:s4+s15], $0x80, s29, s15, $0xb8;
	[tilespmem:$0x1F000] =	vst v63  }
0x5a: {  	_ =	swait.ge [sflag:s25], $0x2800  }
0x5b: {  	[sflag:s25] =	ssyncset.done $0x0  }
0x5c: {  	[sflag:s25] =	ssyncadd.s32 $0xFFFFD800  }
0x5d: {  	_ =	swait.ge [sflag:s22], $0x2800  }
0x5e: {  	[sflag:s22] =	ssyncset.done $0x0  }
0x5f: {  	[sflag:s22] =	ssyncadd.s32 $0xFFFFD800  }
0x60: {  	[spmem:s2] =	stream.indirect.scatter.add.f32 [tilespmem:s16], [sflag:$0x5], $0x80, s30, s15, $0xb8;
	[tilespmem:$0x1F000] =	vst v63  }
0x61: {  	_ =	swait.ge [sflag:s14], $0x2800  }
0x62: {  	[sflag:s14] =	ssyncset.done $0x0  }
0x63: {  	[sflag:s14] =	ssyncadd.s32 $0xFFFFD800  }
0x64: {  	[bflag:$0x0] =	sbarrier.arrive $0xFFFF  }
0x65: {  	[hbm:s9], [sflag:s19] =	dma.local [spmem:s20], $0x2700  }
0x66: {  	s31 =	sadd.s32 $0x1, s31;
	_ =	swait.ge [sflag:s14], $0x2700  }
0x67: {  	p1 =	sne.s32 s31, s11;
	[sflag:s14] =	ssyncset.done $0x0  }
.Ltmp1:
0x68: {  	s0 =	simm.s32 @!p0 $0x5;
	[sflag:s14] =	ssyncadd.s32 $0xFFFFD900;
	(pc) =	sbr.rel @p1 .LBB2_1-.Ltmp1, $4  }
0x69: {  	[hbm:s10], [sflag:s19] =	dma.local @!p0 [spmem:s21], $0x100  }
0x6a: {  	_ =	swait.ge @!p0 [sflag:s0], $0x100  }
0x6b: {  	[sflag:s0] =	ssyncset.done @!p0 $0x0  }
0x6c: {  	[sflag:s0] =	ssyncadd.s32 @!p0 $0xFFFFFF00  }
0x6d: {  	_ =	sfence.sel $0x180000  }
0x6e: {  	[bflag:$0x0] =	sbarrier.arrive $0xFFFF  }
0x6f: {  	_ =	strace $0x9000004A  }
0x70: {  	s0 =	stileid.u32;
	[bflag:$0x2] =	sbarrier.arrive $0xFFFF  }
0x71: {  	p0 =	sne.s32 s0, $0x0;
	s0 =	rddreg [dreg:$0x2]  }
0x72: {  	s0 =	sadd.s32 @!p0 $0x100000, s0  }
0x73: {  	[sflag:s0] =	ssyncadd.tile.s32 @!p0 $0x1;
	_ =	shalt  }
.Lfunc_end2:
_tile_overlayer_lowered:
.L_overlay_start_2:
0x74: {  	(tag) =	ssettag $0x2  }
0x75: {  	s0 =	rddreg [dreg:$0x0];
	s2 =	stileid.u32  }
0x76: {  	s1 =	rddreg [dreg:$0x1];
	p0 =	sne.s32 s2, $0x0  }
0x77: {  	s3 =	rddreg [dreg:$0x2];
	[bflag:$0x3] =	sbarrier.arrive $0xFFFF;
	s2 =	simm.s32 @!p0 $0x1C05  }
0x78: {  	[timem:s3], [sflag:s2] =	dma.local @!p0 [hbm:s0], s1  }
0x79: {  	s0 =	simm.s32 @!p0 $0x5  }
0x7a: {  	_ =	swait.ge @!p0 [sflag:s0], s1  }
0x7b: {  	s1 =	ssub.s32 @!p0 $0x0, s1;
	[sflag:s0] =	ssyncset.done @!p0 $0x0  }
0x7c: {  	[sflag:s0] =	ssyncadd.s32 @!p0 s1  }
0x7d: {  	[bflag:$0x3] =	sbarrier.arrive $0xFFFF  }
0x7e: {  	_ =	shalt  }

// kernel: kernel.17.cloned.1.call-start
scs
__scs_entry_jumppad:
0x0: {  	(pc) =	sbr.rel $0x88, $3  }
0x1: {  	(tag) =	ssettag $0x0;
	lr =	simm.s32 $0x1  }
0x2: {  	[smem:$0x3F8C] =	sst lr;
	_ =	strace $0xD0000000  }
0x3: {  	_ = 	snop  }
0x4: {  	_ = 	snop  }
0x5: {  	_ = 	snop  }
0x6: {  	_ = 	snop  }
0x7: {  	_ = 	snop  }
__scs_overlays_trampoline_lowered:
0x8: {  	[smem:$0x3F9B] =	sst s0  }
0x9: {  	[smem:$0x3F9C] =	sst s1  }
0xa: {  	[smem:$0x3F9D] =	sst s2  }
0xb: {  	[smem:$0x3F9E] =	sst s3  }
0xc: {  	[smem:$0x3F9F] =	sst s4  }
0xd: {  	[smem:$0x3FA0] =	sst s5  }
0xe: {  	[smem:$0x3FA1] =	sst s6  }
0xf: {  	[smem:$0x3FA2] =	sst s7  }
0x10: {  	[smem:$0x3FA3] =	sst s8  }
0x11: {  	[smem:$0x3FA4] =	sst s9;
	s0 =	simm.s32 @!p0 $0x0  }
0x12: {  	s1 =	sld [smem:$0x3F8A];
	s0 =	simm.s32 @p0 $0x1  }
0x13: {  	[smem:$0x3FA5] =	sst s0;
	s0 =	simm.s32 @!p1 $0x0  }
0x14: {  	s2 =	sld [smem:$0x3F89];
	s0 =	simm.s32 @p1 $0x1  }
0x15: {  	[smem:$0x3FA6] =	sst s0;
	s0 =	simm.s32 @!p2 $0x0  }
0x16: {  	s3 =	sld [smem:$0x3FDB];
	s0 =	simm.s32 @p2 $0x1  }
0x17: {  	s4 =	simm.s32 $0x1BF5;
	[smem:$0x3FA8] =	sst s0  }
0x18: {  	s0 =	sld [smem:$0x3F8B];
	_ =	swait.ge [sflag:s4], $0x0  }
0x19: {  	s7 =	sld [smem:$0x3F8C]  }
0x1a: {  	s8 =	sadd.s32 $0xFFFFE003, lr  }
0x1b: {  	s9 =	sadd.s32 $0xFFFFFEF7, lr;
	s5 =	simm.s32 $0xFFFFFFFF;
	p2 =	slt.u32 s8, $0xFFFFF086  }
0x1c: {  	p1 =	slt.u32 s9, $0xF7A;
	s5 =	simm.s32 @!p2 $0x0  }
0x1d: {  	s5 =	simm.s32 @p1 $0x1;
	p0 =	seq.s32 s7, s2  }
0x1e: {  	s7 =	smul.u32 @!p0 $0xF7A, s2;
	p2 =	seq.s32 @!p0 s5, $0x0  }
0x1f: {  	s9 =	smul.u32 $0xF7A, s1;
	s8 =	simm.s32 @!p0 $0x1BF5;
	p2 =	por !p2, p0  }
0x20: {  	[sflag:s8] =	ssyncset.s32 @!p0 $0xFFFFF086;
	s6 =	sadd.s32 @!p0 s3, s7;
	s7 =	simm.s32 @!p0 $0x108  }
0x21: {  	s3 =	sadd.s32 s3, s9;
	s6 =	sadd.s32 @!p0 $0x88, s6;
	s7 =	simm.s32 @p2 $0x1082  }
0x22: {  	[simem:s7], [sflag:s8] =	dma.local @!p0 [hbm:s6], $0xF7A  }
0x23: {  	s9 =	sor.u32 $0xD0000000, s2;
	s6 =	simm.s32 $0x108;
	_ =	swait.ge @!p0 [sflag:s8], $0x0  }
0x24: {  	s3 =	sadd.s32 $0x88, s3;
	s6 =	simm.s32 @!p1 $0x1082;
	[sflag:s4] =	ssyncset.s32 $0xFFFFF086  }
0x25: {  	[simem:s6], [sflag:s4] =	dma.local [hbm:s3], $0xF7A  }
0x26: {  	[smem:$0x3F8C] =	sst s1;
	(tag) =	ssettag s2;
	_ =	strace s9  }
0x27: {  	s1 =	sld [smem:$0x3F9C]  }
0x28: {  	s2 =	sld [smem:$0x3F9D]  }
0x29: {  	s4 =	sld [smem:$0x3F9F]  }
0x2a: {  	p0 =	seq.s32 s5, $0x0;
	s5 =	sld [smem:$0x3FA0]  }
0x2b: {  	s6 =	sld [smem:$0x3FA1]  }
0x2c: {  	s7 =	sld [smem:$0x3FA2]  }
0x2d: {  	s3 =	simm.s32 $0x108;
	s8 =	sld [smem:$0x3FA3]  }
0x2e: {  	s3 =	simm.s32 @!p0 $0x1082;
	s9 =	sld [smem:$0x3FA4]  }
0x2f: {  	lr =	sadd.s32 s0, s3;
	s0 =	sld [smem:$0x3F9B]  }
0x30: {  	s3 =	sld [smem:$0x3F9E]  }
0x31: {  	[smem:$0x3FA7] =	sst s10  }
0x32: {  	s10 =	sld [smem:$0x3FA5];
	_ =	sdelay $0x3  }
0x33: {  	p0 =	seq.s32 s10, $0x1;
	s10 =	sld [smem:$0x3FA7];
	_ =	sdelay $0x3  }
0x34: {  	[smem:$0x3FA7] =	sst s10  }
0x35: {  	s10 =	sld [smem:$0x3FA6];
	_ =	sdelay $0x3  }
0x36: {  	p1 =	seq.s32 s10, $0x1;
	s10 =	sld [smem:$0x3FA7];
	_ =	sdelay $0x3  }
0x37: {  	[smem:$0x3FA7] =	sst s10  }
0x38: {  	s10 =	sld [smem:$0x3FA8]  }
0x39: {  	_ = 	snop;
	(pc) =	sbr.ind lr, $3  }
0x3a: {  	_ = 	snop  }
0x3b: {  	_ = 	snop  }
0x3c: {  	p2 =	seq.s32 s10, $0x1;
	s10 =	sld [smem:$0x3FA7]  }
0x3d: {  	_ =	shalt  }
0x3e: {  	_ =	shalt  }
0x3f: {  	_ =	shalt  }
0x40: {  	_ =	shalt  }
0x41: {  	_ =	shalt  }
0x42: {  	_ =	shalt  }
0x43: {  	_ =	shalt  }
0x44: {  	_ =	shalt  }
0x45: {  	_ =	shalt  }
0x46: {  	_ =	shalt  }
0x47: {  	_ =	shalt  }
0x48: {  	_ =	shalt  }
0x49: {  	_ =	shalt  }
0x4a: {  	_ =	shalt  }
0x4b: {  	_ =	shalt  }
0x4c: {  	_ =	shalt  }
0x4d: {  	_ =	shalt  }
0x4e: {  	_ =	shalt  }
0x4f: {  	_ =	shalt  }
0x50: {  	_ =	shalt  }
0x51: {  	_ =	shalt  }
0x52: {  	_ =	shalt  }
0x53: {  	_ =	shalt  }
0x54: {  	_ =	shalt  }
0x55: {  	_ =	shalt  }
0x56: {  	_ =	shalt  }
0x57: {  	_ =	shalt  }
0x58: {  	_ =	shalt  }
0x59: {  	_ =	shalt  }
0x5a: {  	_ =	shalt  }
0x5b: {  	_ =	shalt  }
0x5c: {  	_ =	shalt  }
0x5d: {  	_ =	shalt  }
0x5e: {  	_ =	shalt  }
0x5f: {  	_ =	shalt  }
0x60: {  	_ =	shalt  }
0x61: {  	_ =	shalt  }
0x62: {  	_ =	shalt  }
0x63: {  	_ =	shalt  }
0x64: {  	_ =	shalt  }
0x65: {  	_ =	shalt  }
0x66: {  	_ =	shalt  }
0x67: {  	_ =	shalt  }
0x68: {  	_ =	shalt  }
0x69: {  	_ =	shalt  }
0x6a: {  	_ =	shalt  }
0x6b: {  	_ =	shalt  }
0x6c: {  	_ =	shalt  }
0x6d: {  	_ =	shalt  }
0x6e: {  	_ =	shalt  }
0x6f: {  	_ =	shalt  }
0x70: {  	_ =	shalt  }
0x71: {  	_ =	shalt  }
0x72: {  	_ =	shalt  }
0x73: {  	_ =	shalt  }
0x74: {  	_ =	shalt  }
0x75: {  	_ =	shalt  }
0x76: {  	_ =	shalt  }
0x77: {  	_ =	shalt  }
0x78: {  	_ =	shalt  }
0x79: {  	_ =	shalt  }
0x7a: {  	_ =	shalt  }
0x7b: {  	_ =	shalt  }
0x7c: {  	_ =	shalt  }
0x7d: {  	_ =	shalt  }
0x7e: {  	_ =	shalt  }
0x7f: {  	_ =	shalt  }
0x80: {  	_ =	shalt  }
0x81: {  	_ =	shalt  }
0x82: {  	_ =	shalt  }
0x83: {  	_ =	shalt  }
0x84: {  	_ =	shalt  }
0x85: {  	_ =	shalt  }
0x86: {  	_ =	shalt  }
0x87: {  	_ =	shalt  }
.Lfunc_end0:
.L_simem_size_0:
called_computation.2_lowered:
.L_overlay_start_0:
0x88: {  	s2 =	sld [smem:$0x3FD9]  }
0x89: {  	s3 =	sld [smem:$0x3FFE];
	_ =	sdelay $0x1  }
0x8a: {  	s1 =	srdreg.scid  }
0x8b: {  	s0 =	sand.u32 $0x1, s1  }
0x8c: {  	s16 =	sshll.u32 s0, $0xA;
	s2 =	sadd.s32 s3, s2  }
0x8d: {  	s2 =	sadd.s32 s2, s16  }
0x8e: {  	[smem:$0x3FB3] =	sst s2  }
0x8f: {  	_ = 	snop  }
0x90: {  	(tm) =	ssettm $0x1  }
0x91: {  	s17 =	sld [smem:$0x3FFB];
	_ =	sdelay $0x3  }
0x92: {  	_ =	strace s17  }
0x93: {  	s2 =	sld [smem:$0x3FFC];
	_ =	sdelay $0x3  }
0x94: {  	_ =	strace s2  }
0x95: {  	s2 =	sld [smem:$0x3FFD];
	_ =	sdelay $0x3  }
0x96: {  	_ =	strace s2  }
0x97: {  	_ =	strace $0x8FFFFFFF  }
0x98: {  	s18 =	sld [smem:$0x3FDB];
	_ =	sdelay $0x1  }
0x99: {  	s19 =	simm.s32 $_scs_section_size  }
0x9a: {  	s4 =	simm.s32 $_size__tile_overlayer_lowered;
	s5 =	simm.s32 $_tile_overlayer_lowered  }
0x9b: {  	s22 =	simm.s32 $0x1BFF;
	s21 =	sshll.u32 s5, $0x1;
	s2 =	sadd.s32 s19, s18  }
0x9c: {  	s6 =	simm.s32 $0x0;
	s20 =	sshll.u32 s4, $0x1;
	s4 =	sadd.s32 s21, s2  }
0x9d: {  	[timem:s6], [sflag:s22] =	dma.local [hbm:s4], s20  }
0x9e: {  	_ =	swait.ge [sflag:s22], s20  }
0x9f: {  	s3 =	ssub.s32 $0x0, s20;
	[sflag:s22] =	ssyncset.done $0x0  }
0xa0: {  	[sflag:s22] =	ssyncadd.s32 s3;
	_ =	sdelay $0x1  }
0xa1: {  	s23 =	simm.s32 $0x1B8B  }
0xa2: {  	_ =	swait.ge [sflag:s23], $0x1  }
0xa3: {  	[sflag:s23] =	ssyncset.done $0x0  }
0xa4: {  	s25 =	simm.s32 $0x1B8E;
	s24 =	sld [smem:$0x3FFE];
	[sflag:s23] =	ssyncadd.s32 $0xFFFFFFFF  }
0xa5: {  	s26 =	simm.s32 $execute0_lowered;
	[smem:$0x3FD2] =	sst s25  }
0xa6: {  	s4 =	sshll.u32 s26, $0x1;
	_ =	strace $0x8000004C;
	[dreg:$0x1] =	wrdreg $0xFFFFFFFF  }
0xa7: {  	s28 =	simm.s32 $_size_execute0_lowered;
	s2 =	sadd.s32 s2, s4;
	[dreg:$0x0] =	wrdreg $0x0  }
0xa8: {  	s4 =	sshll.u32 s28, $0x1;
	[dreg:$0x2] =	wrdreg s2  }
0xa9: {  	[dreg:$0x3] =	wrdreg s4  }
0xaa: {  	[dreg:$0x4] =	wrdreg $0xC0  }
0xab: {  	_ =	task [dreg:s6], $0x5FFFF  }
0xac: {  	[dreg:$0x1] =	wrdreg $0xFFFFFFFF  }
0xad: {  	[dreg:$0x0] =	wrdreg $0x60  }
0xae: {  	[dreg:$0x2] =	wrdreg s24  }
0xaf: {  	[dreg:$0x3] =	wrdreg $0xB7800  }
0xb0: {  	[dreg:$0x4] =	wrdreg $0x9  }
0xb1: {  	_ =	task.clear_ibuf [dreg:s6], $0x5FFFF;
	_ =	strace $0x9000004C  }
0xb2: {  	s29 =	simm.s32 $0x9;
	_ =	strace $0x8000004E  }
0xb3: {  	_ =	swait.ge [sflag:s29], $0x1  }
0xb4: {  	[sflag:s29] =	ssyncadd.s32 $0xFFFFFFFF  }
0xb5: {  	_ =	strace $0x9000004E  }
0xb6: {  	_ =	sfence  }
0xb7: {  	s30 =	sld [smem:$0x0];
	_ =	sdelay $0x2  }
0xb8: {  	s31 =	sshll.u32 s1, $0xD;
	s1 =	sshrl.u32 s1, $0x2  }
0xb9: {  	s3 =	sand.u32 $0x4000, s31;
	s1 =	sadd.s32 s1, s30  }
0xba: {  	s0 =	sor.u32 s3, s0;
	s1 =	sshll.u32 s1, $0x11  }
0xbb: {  	s0 =	sor.u32 s1, s0  }
0xbc: {  	s0 =	sadd.s32 $0x8F2B, s0  }
0xbd: {  	[sflag:s0] =	ssyncadd.remote.s32 $0x1  }
0xbe: {  	_ =	sfence.sel $0xFFFF  }
0xbf: {  	[dreg:$0x0] =	wrdreg $0xFFFFFFFF;
	(pc) =	sbr.abs _section_cstart, $3  }
0xc0: {  	[dreg:$0x1] =	wrdreg $0xFFFFFFFF  }
0xc1: {  	_ =	task.clear_ibuf [dreg:s6], $0x2FFFF;
	_ =	strace $0x9FFFFFFF  }
0xc2: {  	(tm) =	ssettm $0x7FFFFFFF  }
0xc3: {  	_ =	shalt  }
tec
execute0_lowered:
.L_overlay_start_1:
0x0: {  	(tag) =	ssettag $0x1  }
0x1: {  	s0 =	srdreg.scid  }
0x2: {  	s13 =	stileid.u32;
	s1 =	rddreg [dreg:$0x0]  }
0x3: {  	s2 =	rddreg [dreg:$0x1];
	s14 =	simm.s32 $0x5;
	s15 =	simm.s32 $0x50  }
0x4: {  	s16 =	simm.s32 $0x6780;
	s17 =	simm.s32 $0x8F80;
	s28 =	simm.s32 $0x6500  }
0x5: {  	s29 =	simm.s32 $0x26C0;
	s30 =	simm.s32 $0x6580;
	s31 =	simm.s32 $0x0  }
0x6: {  	s0 =	sand.u32 $0x1, s0;
	s3 =	sshrl.u32 s13, $0x3;
	s8 =	smul.u32 $0x13800, s13  }
0x7: {  	s6 =	sshll.u32 s13, $0x7;
	s21 =	sshll.u32 s13, $0xB;
	s12 =	smul.u32 $0x4E000, s13  }
0x8: {  	s10 =	sadd.s32 $0x6C800, s1;
	p0 =	sne.s32 s13, $0xF;
	s4 =	smul.u32 $0x27800, s0  }
0x9: {  	s26 =	sshll.u32 s13, $0x6;
	s5 =	smul.u32 $0x13C00, s3;
	s3 =	simm.s32 $0x0  }
0xa: {  	s20 =	sand.u32 $0x380, s6;
	s6 =	sadd.s32 s21, s1;
	s9 =	ssub.s32 $0x2, s0  }
0xb: {  	s22 =	sshll.u32 s0, $0xF;
	s0 =	smul.u32 $0x138800, s0;
	s21 =	sadd.s32 $0x138000, s2  }
0xc: {  	s19 =	sor.u32 $0x1C05, s26;
	s26 =	simm.s32 $0x6480;
	[smem:$0x7FF] =	sst s3  }
0xd: {  	s7 =	sshrl.u32 s8, $0x3;
	s11 =	sshrl.u32 s9, $0x1;
	s6 =	sadd.s32 s22, s6  }
0xe: {  	s23 =	sshrl.u32 s12, $0x2;
	s21 =	sshrl.u32 @!p0 s21, $0x3;
	s22 =	simm.s32 $0x1  }
0xf: {  	s4 =	sadd.s32 s4, s5;
	_ =	strace $0x8000004D;
	s7 =	sadd.s32 s7, s1  }
0x10: {  	s11 =	ssub.s32 s9, s11;
	s6 =	sadd.s32 $0x4600, s6;
	s12 =	sadd.s32 s23, s2  }
0x11: {  	s24 =	sadd.s32 s8, s0;
	s0 =	sshrl.u32 s0, $0x3;
	s8 =	sadd.s32 $0x45400, s1  }
0x12: {  	s23 =	simm.s32 $0x2;
	s5 =	sor.u32 s20, s4;
	s4 =	sadd.s32 $0x45600, s1  }
0x13: {  	s7 =	sadd.s32 $0x1E400, s7;
	s25 =	sshrl.u32 s24, $0x3;
	s0 =	sadd.s32 s10, s0  }
0x14: {  	s11 =	smax.u32 s11, $0x1;
	s20 =	sshrl.u32 s12, $0x3;
	s5 =	sshrl.u32 s5, $0x3  }
0x15: {  	s24 =	simm.s32 $0x3;
	s9 =	sadd.s32 s10, s25;
	s5 =	sadd.s32 s5, s1  }
0x16: {  	s10 =	sadd.s32 $0x27000, s0;
	s25 =	simm.s32 $0x4;
	s5 =	sadd.s32 $0x14600, s5  }
.LBB2_1:
0x17: {  	s0 =	simm.s32 $0x80;
	s1 =	simm.s32 $0x400  }
0x18: {  	[tilespmem:s3], [sflag:$0x5] =	stream.strided.gather [hbm4b:s5+s0], $0x2780, s1, s0, $0x38;
	[tilespmem:$0x1F000] =	vst v63  }
0x19: {  	_ =	swait.ge [sflag:s14], $0x2780  }
0x1a: {  	[sflag:s14] =	ssyncset.done $0x0  }
0x1b: {  	[sflag:s14] =	ssyncadd.s32 $0xFFFFD880  }
0x1c: {  	[tilespmem:s16], [sflag:$0x1] =	stream.indirect.gather [hbm4b:s4+s15], $0x80, s3, s15, $0xb8;
	[tilespmem:$0x1F000] =	vst v63  }
0x1d: {  	_ = 	snop  }
0x1e: {  	[tilespmem:s17], [sflag:$0x2] =	stream.indirect.gather [hbm4b:s4+s15], $0x80, s15, s15, $0xb8;
	[tilespmem:$0x1F000] =	vst v63  }
0x1f: {  	s1 =	simm.s32 $0x2780  }
0x20: {  	[tilespmem:s1], [sflag:$0x5] =	stream.linear.gather [hbm4b:s6+s3], $0x3E80, $0x38;
	[tilespmem:$0x1F000] =	vst v63  }
0x21: {  	_ =	swait.ge [sflag:s14], $0x3E80  }
0x22: {  	[sflag:s14] =	ssyncset.done $0x0  }
0x23: {  	[sflag:s14] =	ssyncadd.s32 $0xFFFFC180  }
0x24: {  	[spmem:s20], [sflag:s19] =	dma.local [hbm:s7], $0x2700  }
0x25: {  	_ =	swait.ge [sflag:s14], $0x2700  }
0x26: {  	[sflag:s14] =	ssyncset.done $0x0  }
0x27: {  	s0 =	simm.s32 @!p0 $0x5;
	[sflag:s14] =	ssyncadd.s32 $0xFFFFD900  }
0x28: {  	[spmem:s21], [sflag:s19] =	dma.local @!p0 [hbm:s8], $0x100  }
0x29: {  	_ =	swait.ge @!p0 [sflag:s0], $0x100  }
0x2a: {  	[sflag:s0] =	ssyncset.done @!p0 $0x0  }
0x2b: {  	[sflag:s0] =	ssyncadd.s32 @!p0 $0xFFFFFF00  }
0x2c: {  	[bflag:$0x0] =	sbarrier.arrive $0xFFFF  }
0x2d: {  	_ =	swait.ge [sflag:s22], $0x2800  }
0x2e: {  	[sflag:s22] =	ssyncset.done $0x0  }
0x2f: {  	s12 =	simm.s32 $0x2780;
	[sflag:s22] =	ssyncadd.s32 $0xFFFFD800  }
0x30: {  	[spmem:s2] =	stream.indirect.scatter.add.f32 [tilespmem:s16], [sflag:$0x3], $0x80, s12, s15, $0xb8;
	[tilespmem:$0x1F000] =	vst v63  }
0x31: {  	_ =	swait.ge [sflag:s23], $0x2800  }
0x32: {  	[sflag:s23] =	ssyncset.done $0x0  }
0x33: {  	s13 =	simm.s32 $0x2800;
	[sflag:s23] =	ssyncadd.s32 $0xFFFFD800  }
0x34: {  	[spmem:s2] =	stream.indirect.scatter.add.f32 [tilespmem:s17], [sflag:$0x4], $0x80, s13, s15, $0xb8;
	[tilespmem:$0x1F000] =	vst v63  }
0x35: {  	_ =	swait.ge [sflag:s24], $0x2800  }
0x36: {  	[sflag:s24] =	ssyncset.done $0x0  }
0x37: {  	s18 =	simm.s32 $0xA0;
	[sflag:s24] =	ssyncadd.s32 $0xFFFFD800  }
0x38: {  	[tilespmem:s16], [sflag:$0x1] =	stream.indirect.gather [hbm4b:s4+s15], $0x80, s18, s15, $0xb8;
	[tilespmem:$0x1F000] =	vst v63  }
0x39: {  	_ =	swait.ge [sflag:s25], $0x2800  }
0x3a: {  	s1 =	simm.s32 $0xF0;
	[sflag:s25] =	ssyncset.done $0x0  }
0x3b: {  	s0 =	simm.s32 $0x400;
	s12 =	simm.s32 $0x190;
	[sflag:s25] =	ssyncadd.s32 $0xFFFFD800  }
.LBB2_2:
0x3c: {  	[tilespmem:s17], [sflag:$0x2] =	stream.indirect.gather [hbm4b:s4+s15], $0x80, s1, s15, $0xb8;
	[tilespmem:$0x1F000] =	vst v63  }
0x3d: {  	s13 =	smov.u32 s0;
	s1 =	smov.u32 s12  }
0x3e: {  	p1 =	sne.s32 s0, $0xF000;
	s0 =	sadd.s32 $0x400, s0;
	_ =	swait.ge [sflag:s22], $0x2800  }
0x3f: {  	s13 =	sshra.s32 s13, $0x2;
	[sflag:s22] =	ssyncset.done $0x0  }
0x40: {  	s18 =	sadd.s32 $0x2780, s13;
	[sflag:s22] =	ssyncadd.s32 $0xFFFFD800  }
0x41: {  	[spmem:s2] =	stream.indirect.scatter.add.f32 [tilespmem:s16], [sflag:$0x3], $0x80, s18, s15, $0xb8;
	[tilespmem:$0x1F000] =	vst v63  }
0x42: {  	_ =	swait.ge [sflag:s23], $0x2800  }
0x43: {  	[sflag:s23] =	ssyncset.done $0x0  }
0x44: {  	s13 =	sadd.s32 $0x2800, s13;
	[sflag:s23] =	ssyncadd.s32 $0xFFFFD800  }
0x45: {  	[spmem:s2] =	stream.indirect.scatter.add.f32 [tilespmem:s17], [sflag:$0x4], $0x80, s13, s15, $0xb8;
	[tilespmem:$0x1F000] =	vst v63  }
0x46: {  	_ =	swait.ge [sflag:s24], $0x2800  }
0x47: {  	[sflag:s24] =	ssyncset.done $0x0  }
.Ltmp0:
0x48: {  	s13 =	sadd.s32 $0xFFFFFFB0, s12;
	[sflag:s24] =	ssyncadd.s32 $0xFFFFD800;
	(pc) =	sbr.rel @p1 .LBB2_2-.Ltmp0, $4  }
0x49: {  	[tilespmem:s16], [sflag:$0x1] =	stream.indirect.gather [hbm4b:s4+s15], $0x80, s13, s15, $0xb8;
	[tilespmem:$0x1F000] =	vst v63  }
0x4a: {  	_ =	swait.ge [sflag:s25], $0x2800  }
0x4b: {  	[sflag:s25] =	ssyncset.done $0x0  }
0x4c: {  	s12 =	sadd.s32 $0xA0, s12;
	[sflag:s25] =	ssyncadd.s32 $0xFFFFD800  }
0x4d: {  	[tilespmem:s17], [sflag:$0x2] =	stream.indirect.gather [hbm4b:s4+s15], $0x80, s1, s15, $0xb8;
	[tilespmem:$0x1F000] =	vst v63  }
0x4e: {  	_ =	swait.ge [sflag:s22], $0x2800  }
0x4f: {  	[sflag:s22] =	ssyncset.done $0x0  }
0x50: {  	[sflag:s22] =	ssyncadd.s32 $0xFFFFD800  }
0x51: {  	[spmem:s2] =	stream.indirect.scatter.add.f32 [tilespmem:s16], [sflag:$0x3], $0x80, s26, s15, $0xb8;
	[tilespmem:$0x1F000] =	vst v63  }
0x52: {  	_ =	swait.ge [sflag:s23], $0x2800  }
0x53: {  	[sflag:s23] =	ssyncset.done $0x0  }
0x54: {  	[sflag:s23] =	ssyncadd.s32 $0xFFFFD800  }
0x55: {  	[spmem:s2] =	stream.indirect.scatter.add.f32 [tilespmem:s17], [sflag:$0x4], $0x80, s28, s15, $0xb8;
	[tilespmem:$0x1F000] =	vst v63  }
0x56: {  	_ =	swait.ge [sflag:s24], $0x2800  }
0x57: {  	[sflag:s24] =	ssyncset.done $0x0  }
0x58: {  	[sflag:s24] =	ssyncadd.s32 $0xFFFFD800  }
0x59: {  	[tilespmem:s16], [sflag:$0x1] =	stream.indirect.gather [hbm4b:s4+s15], $0x80, s29, s15, $0xb8;
	[tilespmem:$0x1F000] =	vst v63  }
0x5a: {  	_ =	swait.ge [sflag:s25], $0x2800  }
0x5b: {  	[sflag:s25] =	ssyncset.done $0x0  }
0x5c: {  	[sflag:s25] =	ssyncadd.s32 $0xFFFFD800  }
0x5d: {  	_ =	swait.ge [sflag:s22], $0x2800  }
0x5e: {  	[sflag:s22] =	ssyncset.done $0x0  }
0x5f: {  	[sflag:s22] =	ssyncadd.s32 $0xFFFFD800  }
0x60: {  	[spmem:s2] =	stream.indirect.scatter.add.f32 [tilespmem:s16], [sflag:$0x5], $0x80, s30, s15, $0xb8;
	[tilespmem:$0x1F000] =	vst v63  }
0x61: {  	_ =	swait.ge [sflag:s14], $0x2800  }
0x62: {  	[sflag:s14] =	ssyncset.done $0x0  }
0x63: {  	[sflag:s14] =	ssyncadd.s32 $0xFFFFD800  }
0x64: {  	[bflag:$0x0] =	sbarrier.arrive $0xFFFF  }
0x65: {  	[hbm:s9], [sflag:s19] =	dma.local [spmem:s20], $0x2700  }
0x66: {  	s31 =	sadd.s32 $0x1, s31;
	_ =	swait.ge [sflag:s14], $0x2700  }
0x67: {  	p1 =	sne.s32 s31, s11;
	[sflag:s14] =	ssyncset.done $0x0  }
.Ltmp1:
0x68: {  	s0 =	simm.s32 @!p0 $0x5;
	[sflag:s14] =	ssyncadd.s32 $0xFFFFD900;
	(pc) =	sbr.rel @p1 .LBB2_1-.Ltmp1, $4  }
0x69: {  	[hbm:s10], [sflag:s19] =	dma.local @!p0 [spmem:s21], $0x100  }
0x6a: {  	_ =	swait.ge @!p0 [sflag:s0], $0x100  }
0x6b: {  	[sflag:s0] =	ssyncset.done @!p0 $0x0  }
0x6c: {  	[sflag:s0] =	ssyncadd.s32 @!p0 $0xFFFFFF00  }
0x6d: {  	_ =	sfence.sel $0x180000  }
0x6e: {  	[bflag:$0x0] =	sbarrier.arrive $0xFFFF  }
0x6f: {  	_ =	strace $0x9000004D  }
0x70: {  	s0 =	stileid.u32;
	[bflag:$0x2] =	sbarrier.arrive $0xFFFF  }
0x71: {  	p0 =	sne.s32 s0, $0x0;
	s0 =	rddreg [dreg:$0x2]  }
0x72: {  	s0 =	sadd.s32 @!p0 $0x100000, s0  }
0x73: {  	[sflag:s0] =	ssyncadd.tile.s32 @!p0 $0x1;
	_ =	shalt  }
.Lfunc_end2:
_tile_overlayer_lowered:
.L_overlay_start_2:
0x74: {  	(tag) =	ssettag $0x2  }
0x75: {  	s0 =	rddreg [dreg:$0x0];
	s2 =	stileid.u32  }
0x76: {  	s1 =	rddreg [dreg:$0x1];
	p0 =	sne.s32 s2, $0x0  }
0x77: {  	s3 =	rddreg [dreg:$0x2];
	[bflag:$0x3] =	sbarrier.arrive $0xFFFF;
	s2 =	simm.s32 @!p0 $0x1C05  }
0x78: {  	[timem:s3], [sflag:s2] =	dma.local @!p0 [hbm:s0], s1  }
0x79: {  	s0 =	simm.s32 @!p0 $0x5  }
0x7a: {  	_ =	swait.ge @!p0 [sflag:s0], s1  }
0x7b: {  	s1 =	ssub.s32 @!p0 $0x0, s1;
	[sflag:s0] =	ssyncset.done @!p0 $0x0  }
0x7c: {  	[sflag:s0] =	ssyncadd.s32 @!p0 s1  }
0x7d: {  	[bflag:$0x3] =	sbarrier.arrive $0xFFFF  }
0x7e: {  	_ =	shalt  }

</sc_bundles>
